<compile_context>
chip_gen: v7x
topology: tpu7x:2x2x1
jax: 0.10.2.dev20260603
libtpu: 0.0.44.dev20260713+nightly
codegen_flags: <defaults>
</compile_context>

<pallas_src>
import functools

import jax
import jax.numpy as jnp
from jax import lax
from jax.experimental import pallas as pl
from jax.experimental.pallas import tpu as pltpu
from jax.experimental.pallas import tpu_sc as plsc

VOCAB = 100000
D = 64
NI = 4096
NJ = 50
B = NI * NJ

_info = plsc.get_sparse_core_info()
NC, NS = _info.num_cores, _info.num_subcores
NW = NC * NS
B_PER_W = B // NW
TASK = 128
TASKS_PER_W = B_PER_W // TASK
IB = NI // TASK
YS = 129

_mesh = plsc.VectorSubcoreMesh(core_axis_name="c", subcore_axis_name="s")


@functools.partial(
    pl.kernel,
    mesh=_mesh,
    out_type=jax.ShapeDtypeStruct((NJ, 8, IB, 8, TASK), jnp.float32),
    scratch_types=[
        pltpu.VMEM((B_PER_W,), jnp.int32),
        pltpu.VMEM((2 * B_PER_W,), jnp.int32),
        [pltpu.VMEM((2 * TASK, D // 2), jnp.float32) for _ in range(2)],
        [pltpu.VMEM((8, 8, YS), jnp.float32) for _ in range(2)],
        [pltpu.SemaphoreType.DMA for _ in range(2)],
        [pltpu.SemaphoreType.DMA for _ in range(2)],
    ],
    compiler_params=pltpu.CompilerParams(
        use_tc_tiling_on_sc=False, needs_layout_passes=False),
)
def _embed_kernel(idx_hbm, table_hbm, out_hbm, idx_v, pidx_v, gbuf, ybuf,
                  gsem, wsem):
    wid = lax.axis_index("s") * NC + lax.axis_index("c")
    base = wid * B_PER_W
    tg0 = wid * TASKS_PER_W

    pltpu.sync_copy(idx_hbm.at[pl.ds(base, B_PER_W)], idx_v)

    iota = lax.iota(jnp.int32, 16)
    i0s = [(iota + 16 * c) >> 3 for c in range(D // 16)]
    i1s = [(iota + 16 * c) & 7 for c in range(D // 16)]

    @plsc.parallel_loop(0, B_PER_W // 16, 1, unroll=4)
    def _(m):
        a = lax.shift_left(idx_v[pl.ds(m * 16, 16)], 2)
        pos = iota * 2 + m * 32
        plsc.store_scatter(pidx_v, [pos], a)
        plsc.store_scatter(pidx_v, [pos + 1], a + 1)

    def start_gather(u, b):
        pltpu.async_copy(
            table_hbm.at[pidx_v.at[pl.ds(u * 2 * TASK, TASK)]],
            gbuf[b].at[pl.ds(0, TASK)], gsem[b])
        pltpu.async_copy(
            table_hbm.at[pidx_v.at[pl.ds(u * 2 * TASK + TASK, TASK)]],
            gbuf[b].at[pl.ds(TASK, TASK)], gsem[b])

    def wait_gather(b):
        pltpu.make_async_copy(
            table_hbm.at[pl.ds(0, 2 * TASK)], gbuf[b], gsem[b]).wait()

    def start_write(u, b):
        tg = tg0 + u
        j = tg // IB
        it = tg % IB
        pltpu.async_copy(
            ybuf[b].at[:, :, pl.ds(0, TASK)],
            out_hbm.at[j, :, it], wsem[b])

    def wait_write(b):
        pltpu.make_async_copy(
            ybuf[b].at[:, :, pl.ds(0, TASK)], out_hbm.at[0, :, 0],
            wsem[b]).wait()

    def transpose(b):
        gb, yb = gbuf[b], ybuf[b]

        @plsc.parallel_loop(0, TASK, 1, unroll=8)
        def _(m):
            mv = jnp.full((16,), m, jnp.int32)
            for c in range(D // 16):
                x = gb[2 * m + c // 2, pl.ds((c % 2) * 16, 16)]
                plsc.store_scatter(yb, [i0s[c], i1s[c], mv], x)

    start_gather(0, 0)

    def step(u2, carry):
        u = 2 * u2
        start_gather(u + 1, 1)
        wait_gather(0)

        @pl.when(u2 > 0)
        def _():
            wait_write(0)

        transpose(0)
        start_write(u, 0)

        @pl.when(u2 < TASKS_PER_W // 2 - 1)
        def _():
            start_gather(u + 2, 0)

        wait_gather(1)

        @pl.when(u2 > 0)
        def _():
            wait_write(1)

        transpose(1)
        start_write(u + 1, 1)
        return carry

    lax.fori_loop(0, TASKS_PER_W // 2, step, 0)
    wait_write(0)
    wait_write(1)


def kernel(token_ids, table):
    flat = token_ids.T.reshape(-1).astype(jnp.int32)
    tv = jnp.pad(table, ((0, 0), (0, D))).reshape(4 * VOCAB, D // 2)
    out5 = _embed_kernel(flat, tv)
    return out5.transpose(2, 4, 0, 1, 3).reshape(NI, NJ, D)

# --- scband reference (transcript-rebuilt; emitter-appended) ---
"""Pipeline reference for scband-embedding-layer-6451040879224 (READ-ONLY COPY).

The authoritative reference and input builder live on the scoring server;
editing this copy changes nothing except your own understanding.
"""

import jax, jax.numpy as jnp
import numpy as np

VOCAB_SIZE = 100000
EMBED_DIM = 64

def setup_inputs(seed: int = 0) -> dict:
    key = jax.random.key(seed)
    k_idx, k_tab = jax.random.split(key)
    token_ids = jax.random.randint(k_idx, (4096, 50), 0, VOCAB_SIZE, dtype=jnp.int64 if jax.config.jax_enable_x64 else jnp.int32)
    table = jax.random.normal(k_tab, (VOCAB_SIZE, EMBED_DIM), dtype=jnp.float32)
    return {"token_ids": token_ids, "table": table}

def reference(token_ids, table):
    # nn.Embedding forward: gather rows of the embedding table
    return jnp.take(table, token_ids, axis=0)

if __name__ == "__main__":
    import jax
    _d = setup_inputs()
    print(jax.jit(kernel)(*tuple(_d.values())))

</pallas_src>

<mosaic_0001>
#map = affine_map<(d0, d1) -> (0)>
#map1 = affine_map<(d0, d1) -> (0, 0)>
#map2 = affine_map<(d0, d1) -> (0, 0, 0, 0, 0)>
module attributes {stable_mosaic.version = 14 : i64} {
  func.func @_embed_kernel(%arg0: i32, %arg1: i32, %arg2: memref<204800xi32, #tpu.memory_space<hbm>>, %arg3: memref<400000x32xf32, #tpu.memory_space<hbm>>, %arg4: memref<50x8x32x8x128xf32, #tpu.memory_space<hbm>>, %arg5: memref<6400xi32, #tpu.memory_space<vmem>>, %arg6: memref<12800xi32, #tpu.memory_space<vmem>>, %arg7: memref<256x32xf32, #tpu.memory_space<vmem>>, %arg8: memref<256x32xf32, #tpu.memory_space<vmem>>, %arg9: memref<8x8x129xf32, #tpu.memory_space<vmem>>, %arg10: memref<8x8x129xf32, #tpu.memory_space<vmem>>, %arg11: memref<!tpu.dma_semaphore, #tpu.memory_space<semaphore_mem>>, %arg12: memref<!tpu.dma_semaphore, #tpu.memory_space<semaphore_mem>>, %arg13: memref<!tpu.dma_semaphore, #tpu.memory_space<semaphore_mem>>, %arg14: memref<!tpu.dma_semaphore, #tpu.memory_space<semaphore_mem>>) attributes {dimension_semantics = [#tpu.dimension_semantics<core_parallel>, #tpu.dimension_semantics<subcore_parallel>], iteration_bounds = array<i64: 2, 16>, scalar_prefetch = 0 : i64, scratch_operands = 10 : i64, tpu.core_type = #tpu.core_type<sc_vector_subcore>, window_params = [{transform_indices = #map}, {transform_indices = #map1}, {transform_indices = #map2}]} {
    %mul3A = arith.constant 2 : i32
    %mul3A_0 = arith.muli %arg1, %mul3A : i32
    %add3A = arith.addi %mul3A_0, %arg0 : i32
    %mul3A_1 = arith.constant 6400 : i32
    %mul3A_2 = arith.muli %add3A, %mul3A_1 : i32
    %mul3A_3 = arith.constant 50 : i32
    %mul3A_4 = arith.muli %add3A, %mul3A_3 : i32
    "tpu.region"() ({
      %run_scoped3A = tpu.sem_alloc : memref<!tpu.dma_semaphore, #tpu.memory_space<semaphore_mem>>
      %dma_start3A_112 = tpu.memref_slice %arg2[%mul3A_2] : memref<204800xi32, #tpu.memory_space<hbm>> -> memref<6400xi32, #tpu.memory_space<hbm>>
      %dma_start3A_113 = tpu.memref_slice %arg2[%mul3A_2] : memref<204800xi32, #tpu.memory_space<hbm>> -> memref<6400xi32, #tpu.memory_space<hbm>>
      tpu.enqueue_dma source(%dma_start3A_113 : memref<6400xi32, #tpu.memory_space<hbm>>) target(%arg5 : memref<6400xi32, #tpu.memory_space<vmem>>) target_semaphore(%run_scoped3A : memref<!tpu.dma_semaphore, #tpu.memory_space<semaphore_mem>>)
      %dma_wait3A_114 = tpu.memref_slice %arg2[%mul3A_2] : memref<204800xi32, #tpu.memory_space<hbm>> -> memref<6400xi32, #tpu.memory_space<hbm>>
      %dma_wait3A_115 = tpu.memref_slice %arg2[%mul3A_2] : memref<204800xi32, #tpu.memory_space<hbm>> -> memref<6400xi32, #tpu.memory_space<hbm>>
      tpu.wait_dma2 semaphore(%run_scoped3A : memref<!tpu.dma_semaphore, #tpu.memory_space<semaphore_mem>>) src(%dma_wait3A_115 : memref<6400xi32, #tpu.memory_space<hbm>>) dst(%arg5 : memref<6400xi32, #tpu.memory_space<vmem>>)
      tpu.yield
    }) : () -> ()
    %iota3A = tpu.iota {dimensions = array<i32: 0>} : vector<16xi32>
    %add3A_5 = arith.constant 0 : i32
    %add3A_6 = vector.broadcast %add3A_5 : i32 to vector<16xi32>
    %add3A_7 = arith.addi %iota3A, %add3A_6 : vector<16xi32>
    %shift_right_arithmetic3A = arith.constant 3 : i32
    %shift_right_arithmetic3A_8 = vector.broadcast %shift_right_arithmetic3A : i32 to vector<16xi32>
    %shift_right_arithmetic3A_9 = arith.shrsi %add3A_7, %shift_right_arithmetic3A_8 : vector<16xi32>
    %add3A_10 = arith.constant 16 : i32
    %add3A_11 = vector.broadcast %add3A_10 : i32 to vector<16xi32>
    %add3A_12 = arith.addi %iota3A, %add3A_11 : vector<16xi32>
    %shift_right_arithmetic3A_13 = arith.constant 3 : i32
    %shift_right_arithmetic3A_14 = vector.broadcast %shift_right_arithmetic3A_13 : i32 to vector<16xi32>
    %shift_right_arithmetic3A_15 = arith.shrsi %add3A_12, %shift_right_arithmetic3A_14 : vector<16xi32>
    %add3A_16 = arith.constant 32 : i32
    %add3A_17 = vector.broadcast %add3A_16 : i32 to vector<16xi32>
    %add3A_18 = arith.addi %iota3A, %add3A_17 : vector<16xi32>
    %shift_right_arithmetic3A_19 = arith.constant 3 : i32
    %shift_right_arithmetic3A_20 = vector.broadcast %shift_right_arithmetic3A_19 : i32 to vector<16xi32>
    %shift_right_arithmetic3A_21 = arith.shrsi %add3A_18, %shift_right_arithmetic3A_20 : vector<16xi32>
    %add3A_22 = arith.constant 48 : i32
    %add3A_23 = vector.broadcast %add3A_22 : i32 to vector<16xi32>
    %add3A_24 = arith.addi %iota3A, %add3A_23 : vector<16xi32>
    %shift_right_arithmetic3A_25 = arith.constant 3 : i32
    %shift_right_arithmetic3A_26 = vector.broadcast %shift_right_arithmetic3A_25 : i32 to vector<16xi32>
    %shift_right_arithmetic3A_27 = arith.shrsi %add3A_24, %shift_right_arithmetic3A_26 : vector<16xi32>
    %add3A_28 = arith.constant 0 : i32
    %add3A_29 = vector.broadcast %add3A_28 : i32 to vector<16xi32>
    %add3A_30 = arith.addi %iota3A, %add3A_29 : vector<16xi32>
    %and3A = arith.constant 7 : i32
    %and3A_31 = vector.broadcast %and3A : i32 to vector<16xi32>
    %and3A_32 = arith.andi %add3A_30, %and3A_31 : vector<16xi32>
    %add3A_33 = arith.constant 16 : i32
    %add3A_34 = vector.broadcast %add3A_33 : i32 to vector<16xi32>
    %add3A_35 = arith.addi %iota3A, %add3A_34 : vector<16xi32>
    %and3A_36 = arith.constant 7 : i32
    %and3A_37 = vector.broadcast %and3A_36 : i32 to vector<16xi32>
    %and3A_38 = arith.andi %add3A_35, %and3A_37 : vector<16xi32>
    %add3A_39 = arith.constant 32 : i32
    %add3A_40 = vector.broadcast %add3A_39 : i32 to vector<16xi32>
    %add3A_41 = arith.addi %iota3A, %add3A_40 : vector<16xi32>
    %and3A_42 = arith.constant 7 : i32
    %and3A_43 = vector.broadcast %and3A_42 : i32 to vector<16xi32>
    %and3A_44 = arith.andi %add3A_41, %and3A_43 : vector<16xi32>
    %add3A_45 = arith.constant 48 : i32
    %add3A_46 = vector.broadcast %add3A_45 : i32 to vector<16xi32>
    %add3A_47 = arith.addi %iota3A, %add3A_46 : vector<16xi32>
    %and3A_48 = arith.constant 7 : i32
    %and3A_49 = vector.broadcast %and3A_48 : i32 to vector<16xi32>
    %and3A_50 = arith.andi %add3A_47, %and3A_49 : vector<16xi32>
    %parallel_loop3A = arith.constant 0 : i32
    %parallel_loop3A_51 = arith.constant 400 : i32
    %parallel_loop3A_52 = arith.constant 1 : i32
    scf.for %parallel_loop3A_112 = %parallel_loop3A to %parallel_loop3A_51 step %parallel_loop3A_52  : i32 {
      %parallel_loop3A_113 = arith.constant 16 : i32
      %parallel_loop3A_114 = arith.muli %parallel_loop3A_112, %parallel_loop3A_113 : i32
      %parallel_loop3A_115 = arith.index_cast %parallel_loop3A_114 : i32 to index
      %parallel_loop3A_116 = tpu.vector_load %arg5[%parallel_loop3A_115] {strides = array<i32>} : memref<6400xi32, #tpu.memory_space<vmem>>, vector<16xi32>,
      %parallel_loop3A_117 = arith.constant 2 : i32
      %parallel_loop3A_118 = vector.broadcast %parallel_loop3A_117 : i32 to vector<16xi32>
      %parallel_loop3A_119 = arith.shli %parallel_loop3A_116, %parallel_loop3A_118 : vector<16xi32>
      %parallel_loop3A_120 = arith.constant 2 : i32
      %parallel_loop3A_121 = vector.broadcast %parallel_loop3A_120 : i32 to vector<16xi32>
      %parallel_loop3A_122 = arith.muli %iota3A, %parallel_loop3A_121 : vector<16xi32>
      %parallel_loop3A_123 = arith.constant 32 : i32
      %parallel_loop3A_124 = arith.muli %parallel_loop3A_112, %parallel_loop3A_123 : i32
      %parallel_loop3A_125 = vector.broadcast %parallel_loop3A_124 : i32 to vector<16xi32>
      %parallel_loop3A_126 = arith.addi %parallel_loop3A_122, %parallel_loop3A_125 : vector<16xi32>
      tpu.vector_store_idx %arg6[%parallel_loop3A_126], %parallel_loop3A_119 : memref<12800xi32, #tpu.memory_space<vmem>>[vector<16xi32>], vector<16xi32>,
      %parallel_loop3A_127 = arith.constant 1 : i32
      %parallel_loop3A_128 = vector.broadcast %parallel_loop3A_127 : i32 to vector<16xi32>
      %parallel_loop3A_129 = arith.addi %parallel_loop3A_126, %parallel_loop3A_128 : vector<16xi32>
      %parallel_loop3A_130 = arith.constant 1 : i32
      %parallel_loop3A_131 = vector.broadcast %parallel_loop3A_130 : i32 to vector<16xi32>
      %parallel_loop3A_132 = arith.addi %parallel_loop3A_119, %parallel_loop3A_131 : vector<16xi32>
      tpu.vector_store_idx %arg6[%parallel_loop3A_129], %parallel_loop3A_132 : memref<12800xi32, #tpu.memory_space<vmem>>[vector<16xi32>], vector<16xi32>,
    } {sc.loop_unroll_factor = 4 : i64, sc.parallel_access}
    %dma_start3A = arith.constant 0 : i32
    %dma_start3A_53 = arith.constant 0 : i32
    %dma_start3A_54 = tpu.memref_slice %arg7[%dma_start3A, %dma_start3A_53] : memref<256x32xf32, #tpu.memory_space<vmem>> -> memref<128x32xf32, #tpu.memory_space<vmem>>
    %dma_start3A_55 = arith.constant 0 : i32
    %dma_start3A_56 = tpu.memref_slice %arg6[%dma_start3A_55] : memref<12800xi32, #tpu.memory_space<vmem>> -> memref<128xi32, #tpu.memory_space<vmem>>
    %dma_start3A_57 = arith.constant 0 : i32
    %dma_start3A_58 = arith.constant 0 : i32
    %dma_start3A_59 = tpu.memref_slice %arg3[%dma_start3A_57, %dma_start3A_58] : memref<400000x32xf32, #tpu.memory_space<hbm>> -> memref<400000x32xf32, #tpu.memory_space<hbm>>
    tpu.enqueue_indirect_dma source(%dma_start3A_59 : memref<400000x32xf32, #tpu.memory_space<hbm>>) target(%dma_start3A_54 : memref<128x32xf32, #tpu.memory_space<vmem>>) offsets(%dma_start3A_56 : memref<128xi32, #tpu.memory_space<vmem>>) semaphore(%arg11 : memref<!tpu.dma_semaphore, #tpu.memory_space<semaphore_mem>>)
    %dma_start3A_60 = arith.constant 128 : i32
    %dma_start3A_61 = arith.constant 0 : i32
    %dma_start3A_62 = tpu.memref_slice %arg7[%dma_start3A_60, %dma_start3A_61] : memref<256x32xf32, #tpu.memory_space<vmem>> -> memref<128x32xf32, #tpu.memory_space<vmem>>
    %dma_start3A_63 = arith.constant 128 : i32
    %dma_start3A_64 = tpu.memref_slice %arg6[%dma_start3A_63] : memref<12800xi32, #tpu.memory_space<vmem>> -> memref<128xi32, #tpu.memory_space<vmem>>
    %dma_start3A_65 = arith.constant 0 : i32
    %dma_start3A_66 = arith.constant 0 : i32
    %dma_start3A_67 = tpu.memref_slice %arg3[%dma_start3A_65, %dma_start3A_66] : memref<400000x32xf32, #tpu.memory_space<hbm>> -> memref<400000x32xf32, #tpu.memory_space<hbm>>
    tpu.enqueue_indirect_dma source(%dma_start3A_67 : memref<400000x32xf32, #tpu.memory_space<hbm>>) target(%dma_start3A_62 : memref<128x32xf32, #tpu.memory_space<vmem>>) offsets(%dma_start3A_64 : memref<128xi32, #tpu.memory_space<vmem>>) semaphore(%arg11 : memref<!tpu.dma_semaphore, #tpu.memory_space<semaphore_mem>>)
    %scan3A = arith.constant 0 : i32
    %scan3A_68 = arith.constant 0 : i32
    %scan3A_69 = arith.constant 25 : i32
    %scan3A_70 = arith.addi %scan3A_68, %scan3A_69 : i32
    %scan3A_71 = arith.constant 1 : i32
    scf.for %scan3A_112 = %scan3A_68 to %scan3A_70 step %scan3A_71  : i32 {
      %mul3A_113 = arith.constant 2 : i32
      %mul3A_114 = arith.muli %mul3A_113, %scan3A_112 : i32
      %add3A_115 = arith.constant 1 : i32
      %add3A_116 = arith.addi %mul3A_114, %add3A_115 : i32
      %mul3A_117 = arith.constant 2 : i32
      %mul3A_118 = arith.muli %add3A_116, %mul3A_117 : i32
      %mul3A_119 = arith.constant 128 : i32
      %mul3A_120 = arith.muli %mul3A_118, %mul3A_119 : i32
      %dma_start3A_121 = arith.constant 0 : i32
      %dma_start3A_122 = arith.constant 0 : i32
      %dma_start3A_123 = tpu.memref_slice %arg8[%dma_start3A_121, %dma_start3A_122] : memref<256x32xf32, #tpu.memory_space<vmem>> -> memref<128x32xf32, #tpu.memory_space<vmem>>
      %dma_start3A_124 = tpu.memref_slice %arg6[%mul3A_120] : memref<12800xi32, #tpu.memory_space<vmem>> -> memref<128xi32, #tpu.memory_space<vmem>>
      %dma_start3A_125 = arith.constant 0 : i32
      %dma_start3A_126 = arith.constant 0 : i32
      %dma_start3A_127 = tpu.memref_slice %arg3[%dma_start3A_125, %dma_start3A_126] : memref<400000x32xf32, #tpu.memory_space<hbm>> -> memref<400000x32xf32, #tpu.memory_space<hbm>>
      tpu.enqueue_indirect_dma source(%dma_start3A_127 : memref<400000x32xf32, #tpu.memory_space<hbm>>) target(%dma_start3A_123 : memref<128x32xf32, #tpu.memory_space<vmem>>) offsets(%dma_start3A_124 : memref<128xi32, #tpu.memory_space<vmem>>) semaphore(%arg12 : memref<!tpu.dma_semaphore, #tpu.memory_space<semaphore_mem>>)
      %mul3A_128 = arith.constant 2 : i32
      %mul3A_129 = arith.muli %add3A_116, %mul3A_128 : i32
      %mul3A_130 = arith.constant 128 : i32
      %mul3A_131 = arith.muli %mul3A_129, %mul3A_130 : i32
      %add3A_132 = arith.constant 128 : i32
      %add3A_133 = arith.addi %mul3A_131, %add3A_132 : i32
      %dma_start3A_134 = arith.constant 128 : i32
      %dma_start3A_135 = arith.constant 0 : i32
      %dma_start3A_136 = tpu.memref_slice %arg8[%dma_start3A_134, %dma_start3A_135] : memref<256x32xf32, #tpu.memory_space<vmem>> -> memref<128x32xf32, #tpu.memory_space<vmem>>
      %dma_start3A_137 = tpu.memref_slice %arg6[%add3A_133] : memref<12800xi32, #tpu.memory_space<vmem>> -> memref<128xi32, #tpu.memory_space<vmem>>
      %dma_start3A_138 = arith.constant 0 : i32
      %dma_start3A_139 = arith.constant 0 : i32
      %dma_start3A_140 = tpu.memref_slice %arg3[%dma_start3A_138, %dma_start3A_139] : memref<400000x32xf32, #tpu.memory_space<hbm>> -> memref<400000x32xf32, #tpu.memory_space<hbm>>
      tpu.enqueue_indirect_dma source(%dma_start3A_140 : memref<400000x32xf32, #tpu.memory_space<hbm>>) target(%dma_start3A_136 : memref<128x32xf32, #tpu.memory_space<vmem>>) offsets(%dma_start3A_137 : memref<128xi32, #tpu.memory_space<vmem>>) semaphore(%arg12 : memref<!tpu.dma_semaphore, #tpu.memory_space<semaphore_mem>>)
      %dma_wait3A_141 = arith.constant 0 : i32
      %dma_wait3A_142 = arith.constant 0 : i32
      %dma_wait3A_143 = tpu.memref_slice %arg3[%dma_wait3A_141, %dma_wait3A_142] : memref<400000x32xf32, #tpu.memory_space<hbm>> -> memref<256x32xf32, #tpu.memory_space<hbm>>
      %dma_wait3A_144 = arith.constant 0 : i32
      %dma_wait3A_145 = arith.constant 0 : i32
      %dma_wait3A_146 = tpu.memref_slice %arg3[%dma_wait3A_144, %dma_wait3A_145] : memref<400000x32xf32, #tpu.memory_space<hbm>> -> memref<256x32xf32, #tpu.memory_space<hbm>>
      tpu.wait_dma2 semaphore(%arg11 : memref<!tpu.dma_semaphore, #tpu.memory_space<semaphore_mem>>) src(%dma_wait3A_146 : memref<256x32xf32, #tpu.memory_space<hbm>>) dst(%arg7 : memref<256x32xf32, #tpu.memory_space<vmem>>)
      %gt3A = arith.constant 0 : i32
      %gt3A_147 = arith.cmpi sgt, %scan3A_112, %gt3A : i32
      %convert_element_type3A = arith.extui %gt3A_147 : i1 to i32
      %cond3A = arith.constant 0 : i32
      %cond3A_148 = arith.cmpi ne, %convert_element_type3A, %cond3A : i32
      scf.if %cond3A_148 {
        %dma_wait3A_282 = arith.constant 0 : i32
        %dma_wait3A_283 = arith.constant 0 : i32
        %dma_wait3A_284 = arith.constant 0 : i32
        %dma_wait3A_285 = arith.constant 0 : i32
        %dma_wait3A_286 = arith.constant 0 : i32
        %dma_wait3A_287 = tpu.memref_slice %arg9[%dma_wait3A_284, %dma_wait3A_285, %dma_wait3A_286] : memref<8x8x129xf32, #tpu.memory_space<vmem>> -> memref<8x8x128xf32, #tpu.memory_space<vmem>>
        %dma_wait3A_288 = arith.constant 0 : i32
        %dma_wait3A_289 = arith.constant 0 : i32
        %dma_wait3A_290 = arith.constant 0 : i32
        %dma_wait3A_291 = tpu.memref_slice %arg4[%dma_wait3A_282, %dma_wait3A_288, %dma_wait3A_283, %dma_wait3A_289, %dma_wait3A_290] : memref<50x8x32x8x128xf32, #tpu.memory_space<hbm>> -> memref<1x8x1x8x128xf32, #tpu.memory_space<hbm>>
        %dma_wait3A_292 = tpu.memref_squeeze %dma_wait3A_291 : memref<1x8x1x8x128xf32, #tpu.memory_space<hbm>> -> memref<8x8x128xf32, #tpu.memory_space<hbm>>
        %dma_wait3A_293 = arith.constant 0 : i32
        %dma_wait3A_294 = arith.constant 0 : i32
        %dma_wait3A_295 = arith.constant 0 : i32
        %dma_wait3A_296 = tpu.memref_slice %arg4[%dma_wait3A_282, %dma_wait3A_293, %dma_wait3A_283, %dma_wait3A_294, %dma_wait3A_295] : memref<50x8x32x8x128xf32, #tpu.memory_space<hbm>> -> memref<1x8x1x8x128xf32, #tpu.memory_space<hbm>>
        %dma_wait3A_297 = tpu.memref_squeeze %dma_wait3A_296 : memref<1x8x1x8x128xf32, #tpu.memory_space<hbm>> -> memref<8x8x128xf32, #tpu.memory_space<hbm>>
        %dma_wait3A_298 = arith.constant 0 : i32
        %dma_wait3A_299 = arith.constant 0 : i32
        %dma_wait3A_300 = arith.constant 0 : i32
        %dma_wait3A_301 = tpu.memref_slice %arg9[%dma_wait3A_298, %dma_wait3A_299, %dma_wait3A_300] : memref<8x8x129xf32, #tpu.memory_space<vmem>> -> memref<8x8x128xf32, #tpu.memory_space<vmem>>
        tpu.wait_dma2 semaphore(%arg13 : memref<!tpu.dma_semaphore, #tpu.memory_space<semaphore_mem>>) src(%dma_wait3A_301 : memref<8x8x128xf32, #tpu.memory_space<vmem>>) dst(%dma_wait3A_297 : memref<8x8x128xf32, #tpu.memory_space<hbm>>)
      } else {
      }
      %parallel_loop3A_149 = arith.constant 0 : i32
      %parallel_loop3A_150 = arith.constant 128 : i32
      %parallel_loop3A_151 = arith.constant 1 : i32
      scf.for %parallel_loop3A_282 = %parallel_loop3A_149 to %parallel_loop3A_150 step %parallel_loop3A_151  : i32 {
        %parallel_loop3A_283 = vector.broadcast %parallel_loop3A_282 : i32 to vector<16xi32>
        %parallel_loop3A_284 = arith.constant 2 : i32
        %parallel_loop3A_285 = arith.muli %parallel_loop3A_284, %parallel_loop3A_282 : i32
        %parallel_loop3A_286 = arith.constant 0 : i32
        %parallel_loop3A_287 = arith.addi %parallel_loop3A_285, %parallel_loop3A_286 : i32
        %parallel_loop3A_288 = arith.index_cast %parallel_loop3A_287 : i32 to index
        %parallel_loop3A_289 = arith.constant 0 : index
        %parallel_loop3A_290 = tpu.vector_load %arg7[%parallel_loop3A_288, %parallel_loop3A_289] {strides = array<i32>} : memref<256x32xf32, #tpu.memory_space<vmem>>, vector<16xf32>,
        tpu.vector_store_idx %arg9[%shift_right_arithmetic3A_9, %and3A_32, %parallel_loop3A_283], %parallel_loop3A_290 : memref<8x8x129xf32, #tpu.memory_space<vmem>>[vector<16xi32>, vector<16xi32>, vector<16xi32>], vector<16xf32>,
        %parallel_loop3A_291 = arith.constant 2 : i32
        %parallel_loop3A_292 = arith.muli %parallel_loop3A_291, %parallel_loop3A_282 : i32
        %parallel_loop3A_293 = arith.constant 0 : i32
        %parallel_loop3A_294 = arith.addi %parallel_loop3A_292, %parallel_loop3A_293 : i32
        %parallel_loop3A_295 = arith.index_cast %parallel_loop3A_294 : i32 to index
        %parallel_loop3A_296 = arith.constant 16 : index
        %parallel_loop3A_297 = tpu.vector_load %arg7[%parallel_loop3A_295, %parallel_loop3A_296] {strides = array<i32>} : memref<256x32xf32, #tpu.memory_space<vmem>>, vector<16xf32>,
        tpu.vector_store_idx %arg9[%shift_right_arithmetic3A_15, %and3A_38, %parallel_loop3A_283], %parallel_loop3A_297 : memref<8x8x129xf32, #tpu.memory_space<vmem>>[vector<16xi32>, vector<16xi32>, vector<16xi32>], vector<16xf32>,
        %parallel_loop3A_298 = arith.constant 2 : i32
        %parallel_loop3A_299 = arith.muli %parallel_loop3A_298, %parallel_loop3A_282 : i32
        %parallel_loop3A_300 = arith.constant 1 : i32
        %parallel_loop3A_301 = arith.addi %parallel_loop3A_299, %parallel_loop3A_300 : i32
        %parallel_loop3A_302 = arith.index_cast %parallel_loop3A_301 : i32 to index
        %parallel_loop3A_303 = arith.constant 0 : index
        %parallel_loop3A_304 = tpu.vector_load %arg7[%parallel_loop3A_302, %parallel_loop3A_303] {strides = array<i32>} : memref<256x32xf32, #tpu.memory_space<vmem>>, vector<16xf32>,
        tpu.vector_store_idx %arg9[%shift_right_arithmetic3A_21, %and3A_44, %parallel_loop3A_283], %parallel_loop3A_304 : memref<8x8x129xf32, #tpu.memory_space<vmem>>[vector<16xi32>, vector<16xi32>, vector<16xi32>], vector<16xf32>,
        %parallel_loop3A_305 = arith.constant 2 : i32
        %parallel_loop3A_306 = arith.muli %parallel_loop3A_305, %parallel_loop3A_282 : i32
        %parallel_loop3A_307 = arith.constant 1 : i32
        %parallel_loop3A_308 = arith.addi %parallel_loop3A_306, %parallel_loop3A_307 : i32
        %parallel_loop3A_309 = arith.index_cast %parallel_loop3A_308 : i32 to index
        %parallel_loop3A_310 = arith.constant 16 : index
        %parallel_loop3A_311 = tpu.vector_load %arg7[%parallel_loop3A_309, %parallel_loop3A_310] {strides = array<i32>} : memref<256x32xf32, #tpu.memory_space<vmem>>, vector<16xf32>,
        tpu.vector_store_idx %arg9[%shift_right_arithmetic3A_27, %and3A_50, %parallel_loop3A_283], %parallel_loop3A_311 : memref<8x8x129xf32, #tpu.memory_space<vmem>>[vector<16xi32>, vector<16xi32>, vector<16xi32>], vector<16xf32>,
      } {sc.loop_unroll_factor = 8 : i64, sc.parallel_access}
      %add3A_152 = arith.addi %mul3A_4, %mul3A_114 : i32
      %jit3A = arith.constant 32 : i32
      %div3A = arith.divsi %add3A_152, %jit3A : i32
      %sign3A = arith.constant 0 : i32
      %sign3A_153 = arith.cmpi sgt, %add3A_152, %sign3A : i32
      %sign3A_154 = arith.extui %sign3A_153 : i1 to i32
      %sign3A_155 = arith.constant 0 : i32
      %sign3A_156 = arith.cmpi slt, %add3A_152, %sign3A_155 : i32
      %sign3A_157 = arith.extui %sign3A_156 : i1 to i32
      %sign3A_158 = arith.subi %sign3A_154, %sign3A_157 : i32
      %sign3A_159 = arith.constant 0 : i32
      %sign3A_160 = arith.cmpi sgt, %jit3A, %sign3A_159 : i32
      %sign3A_161 = arith.extui %sign3A_160 : i1 to i32
      %sign3A_162 = arith.constant 0 : i32
      %sign3A_163 = arith.cmpi slt, %jit3A, %sign3A_162 : i32
      %sign3A_164 = arith.extui %sign3A_163 : i1 to i32
      %sign3A_165 = arith.subi %sign3A_161, %sign3A_164 : i32
      %ne3A = arith.cmpi ne, %sign3A_158, %sign3A_165 : i32
      %rem3A = arith.remsi %add3A_152, %jit3A : i32
      %ne3A_166 = arith.constant 0 : i32
      %ne3A_167 = arith.cmpi ne, %rem3A, %ne3A_166 : i32
      %and3A_168 = arith.andi %ne3A, %ne3A_167 : i1
      %sub3A = arith.constant 1 : i32
      %sub3A_169 = arith.subi %div3A, %sub3A : i32
      %select_n3A = arith.select %and3A_168, %sub3A_169, %div3A : i32
      %jit3A_170 = arith.constant 32 : i32
      %eq3A = arith.constant 0 : i32
      %eq3A_171 = arith.cmpi eq, %jit3A_170, %eq3A : i32
      %jit3A_172 = arith.constant 1 : i32
      %select_n3A_173 = arith.select %eq3A_171, %jit3A_172, %jit3A_170 : i32
      %rem3A_174 = arith.remsi %add3A_152, %select_n3A_173 : i32
      %ne3A_175 = arith.constant 0 : i32
      %ne3A_176 = arith.cmpi ne, %rem3A_174, %ne3A_175 : i32
      %lt3A = arith.constant 0 : i32
      %lt3A_177 = arith.cmpi slt, %rem3A_174, %lt3A : i32
      %lt3A_178 = arith.constant 0 : i32
      %lt3A_179 = arith.cmpi slt, %select_n3A_173, %lt3A_178 : i32
      %ne3A_180 = arith.xori %lt3A_177, %lt3A_179 : i1
      %and3A_181 = arith.andi %ne3A_180, %ne3A_176 : i1
      %add3A_182 = arith.addi %rem3A_174, %select_n3A_173 : i32
      %select_n3A_183 = arith.select %and3A_181, %add3A_182, %rem3A_174 : i32
      %dma_start3A_184 = arith.constant 0 : i32
      %dma_start3A_185 = arith.constant 0 : i32
      %dma_start3A_186 = arith.constant 0 : i32
      %dma_start3A_187 = tpu.memref_slice %arg9[%dma_start3A_184, %dma_start3A_185, %dma_start3A_186] : memref<8x8x129xf32, #tpu.memory_space<vmem>> -> memref<8x8x128xf32, #tpu.memory_space<vmem>>
      %dma_start3A_188 = arith.constant 0 : i32
      %dma_start3A_189 = arith.constant 0 : i32
      %dma_start3A_190 = arith.constant 0 : i32
      %dma_start3A_191 = tpu.memref_slice %arg4[%select_n3A, %dma_start3A_188, %select_n3A_183, %dma_start3A_189, %dma_start3A_190] : memref<50x8x32x8x128xf32, #tpu.memory_space<hbm>> -> memref<1x8x1x8x128xf32, #tpu.memory_space<hbm>>
      %dma_start3A_192 = tpu.memref_squeeze %dma_start3A_191 : memref<1x8x1x8x128xf32, #tpu.memory_space<hbm>> -> memref<8x8x128xf32, #tpu.memory_space<hbm>>
      %dma_start3A_193 = arith.constant 0 : i32
      %dma_start3A_194 = arith.constant 0 : i32
      %dma_start3A_195 = arith.constant 0 : i32
      %dma_start3A_196 = tpu.memref_slice %arg4[%select_n3A, %dma_start3A_193, %select_n3A_183, %dma_start3A_194, %dma_start3A_195] : memref<50x8x32x8x128xf32, #tpu.memory_space<hbm>> -> memref<1x8x1x8x128xf32, #tpu.memory_space<hbm>>
      %dma_start3A_197 = tpu.memref_squeeze %dma_start3A_196 : memref<1x8x1x8x128xf32, #tpu.memory_space<hbm>> -> memref<8x8x128xf32, #tpu.memory_space<hbm>>
      %dma_start3A_198 = arith.constant 0 : i32
      %dma_start3A_199 = arith.constant 0 : i32
      %dma_start3A_200 = arith.constant 0 : i32
      %dma_start3A_201 = tpu.memref_slice %arg9[%dma_start3A_198, %dma_start3A_199, %dma_start3A_200] : memref<8x8x129xf32, #tpu.memory_space<vmem>> -> memref<8x8x128xf32, #tpu.memory_space<vmem>>
      tpu.enqueue_dma source(%dma_start3A_201 : memref<8x8x128xf32, #tpu.memory_space<vmem>>) target(%dma_start3A_197 : memref<8x8x128xf32, #tpu.memory_space<hbm>>) target_semaphore(%arg13 : memref<!tpu.dma_semaphore, #tpu.memory_space<semaphore_mem>>)
      %lt3A_202 = arith.constant 24 : i32
      %lt3A_203 = arith.cmpi slt, %scan3A_112, %lt3A_202 : i32
      %convert_element_type3A_204 = arith.extui %lt3A_203 : i1 to i32
      %cond3A_205 = arith.constant 0 : i32
      %cond3A_206 = arith.cmpi ne, %convert_element_type3A_204, %cond3A_205 : i32
      scf.if %cond3A_206 {
        %add3A_282 = arith.constant 2 : i32
        %add3A_283 = arith.addi %mul3A_114, %add3A_282 : i32
        %mul3A_284 = arith.constant 2 : i32
        %mul3A_285 = arith.muli %add3A_283, %mul3A_284 : i32
        %mul3A_286 = arith.constant 128 : i32
        %mul3A_287 = arith.muli %mul3A_285, %mul3A_286 : i32
        %dma_start3A_288 = arith.constant 0 : i32
        %dma_start3A_289 = arith.constant 0 : i32
        %dma_start3A_290 = tpu.memref_slice %arg7[%dma_start3A_288, %dma_start3A_289] : memref<256x32xf32, #tpu.memory_space<vmem>> -> memref<128x32xf32, #tpu.memory_space<vmem>>
        %dma_start3A_291 = tpu.memref_slice %arg6[%mul3A_287] : memref<12800xi32, #tpu.memory_space<vmem>> -> memref<128xi32, #tpu.memory_space<vmem>>
        %dma_start3A_292 = arith.constant 0 : i32
        %dma_start3A_293 = arith.constant 0 : i32
        %dma_start3A_294 = tpu.memref_slice %arg3[%dma_start3A_292, %dma_start3A_293] : memref<400000x32xf32, #tpu.memory_space<hbm>> -> memref<400000x32xf32, #tpu.memory_space<hbm>>
        tpu.enqueue_indirect_dma source(%dma_start3A_294 : memref<400000x32xf32, #tpu.memory_space<hbm>>) target(%dma_start3A_290 : memref<128x32xf32, #tpu.memory_space<vmem>>) offsets(%dma_start3A_291 : memref<128xi32, #tpu.memory_space<vmem>>) semaphore(%arg11 : memref<!tpu.dma_semaphore, #tpu.memory_space<semaphore_mem>>)
        %mul3A_295 = arith.constant 2 : i32
        %mul3A_296 = arith.muli %add3A_283, %mul3A_295 : i32
        %mul3A_297 = arith.constant 128 : i32
        %mul3A_298 = arith.muli %mul3A_296, %mul3A_297 : i32
        %add3A_299 = arith.constant 128 : i32
        %add3A_300 = arith.addi %mul3A_298, %add3A_299 : i32
        %dma_start3A_301 = arith.constant 128 : i32
        %dma_start3A_302 = arith.constant 0 : i32
        %dma_start3A_303 = tpu.memref_slice %arg7[%dma_start3A_301, %dma_start3A_302] : memref<256x32xf32, #tpu.memory_space<vmem>> -> memref<128x32xf32, #tpu.memory_space<vmem>>
        %dma_start3A_304 = tpu.memref_slice %arg6[%add3A_300] : memref<12800xi32, #tpu.memory_space<vmem>> -> memref<128xi32, #tpu.memory_space<vmem>>
        %dma_start3A_305 = arith.constant 0 : i32
        %dma_start3A_306 = arith.constant 0 : i32
        %dma_start3A_307 = tpu.memref_slice %arg3[%dma_start3A_305, %dma_start3A_306] : memref<400000x32xf32, #tpu.memory_space<hbm>> -> memref<400000x32xf32, #tpu.memory_space<hbm>>
        tpu.enqueue_indirect_dma source(%dma_start3A_307 : memref<400000x32xf32, #tpu.memory_space<hbm>>) target(%dma_start3A_303 : memref<128x32xf32, #tpu.memory_space<vmem>>) offsets(%dma_start3A_304 : memref<128xi32, #tpu.memory_space<vmem>>) semaphore(%arg11 : memref<!tpu.dma_semaphore, #tpu.memory_space<semaphore_mem>>)
      } else {
      }
      %dma_wait3A_207 = arith.constant 0 : i32
      %dma_wait3A_208 = arith.constant 0 : i32
      %dma_wait3A_209 = tpu.memref_slice %arg3[%dma_wait3A_207, %dma_wait3A_208] : memref<400000x32xf32, #tpu.memory_space<hbm>> -> memref<256x32xf32, #tpu.memory_space<hbm>>
      %dma_wait3A_210 = arith.constant 0 : i32
      %dma_wait3A_211 = arith.constant 0 : i32
      %dma_wait3A_212 = tpu.memref_slice %arg3[%dma_wait3A_210, %dma_wait3A_211] : memref<400000x32xf32, #tpu.memory_space<hbm>> -> memref<256x32xf32, #tpu.memory_space<hbm>>
      tpu.wait_dma2 semaphore(%arg12 : memref<!tpu.dma_semaphore, #tpu.memory_space<semaphore_mem>>) src(%dma_wait3A_212 : memref<256x32xf32, #tpu.memory_space<hbm>>) dst(%arg8 : memref<256x32xf32, #tpu.memory_space<vmem>>)
      %gt3A_213 = arith.constant 0 : i32
      %gt3A_214 = arith.cmpi sgt, %scan3A_112, %gt3A_213 : i32
      %convert_element_type3A_215 = arith.extui %gt3A_214 : i1 to i32
      %cond3A_216 = arith.constant 0 : i32
      %cond3A_217 = arith.cmpi ne, %convert_element_type3A_215, %cond3A_216 : i32
      scf.if %cond3A_217 {
        %dma_wait3A_282 = arith.constant 0 : i32
        %dma_wait3A_283 = arith.constant 0 : i32
        %dma_wait3A_284 = arith.constant 0 : i32
        %dma_wait3A_285 = arith.constant 0 : i32
        %dma_wait3A_286 = arith.constant 0 : i32
        %dma_wait3A_287 = tpu.memref_slice %arg10[%dma_wait3A_284, %dma_wait3A_285, %dma_wait3A_286] : memref<8x8x129xf32, #tpu.memory_space<vmem>> -> memref<8x8x128xf32, #tpu.memory_space<vmem>>
        %dma_wait3A_288 = arith.constant 0 : i32
        %dma_wait3A_289 = arith.constant 0 : i32
        %dma_wait3A_290 = arith.constant 0 : i32
        %dma_wait3A_291 = tpu.memref_slice %arg4[%dma_wait3A_282, %dma_wait3A_288, %dma_wait3A_283, %dma_wait3A_289, %dma_wait3A_290] : memref<50x8x32x8x128xf32, #tpu.memory_space<hbm>> -> memref<1x8x1x8x128xf32, #tpu.memory_space<hbm>>
        %dma_wait3A_292 = tpu.memref_squeeze %dma_wait3A_291 : memref<1x8x1x8x128xf32, #tpu.memory_space<hbm>> -> memref<8x8x128xf32, #tpu.memory_space<hbm>>
        %dma_wait3A_293 = arith.constant 0 : i32
        %dma_wait3A_294 = arith.constant 0 : i32
        %dma_wait3A_295 = arith.constant 0 : i32
        %dma_wait3A_296 = tpu.memref_slice %arg4[%dma_wait3A_282, %dma_wait3A_293, %dma_wait3A_283, %dma_wait3A_294, %dma_wait3A_295] : memref<50x8x32x8x128xf32, #tpu.memory_space<hbm>> -> memref<1x8x1x8x128xf32, #tpu.memory_space<hbm>>
        %dma_wait3A_297 = tpu.memref_squeeze %dma_wait3A_296 : memref<1x8x1x8x128xf32, #tpu.memory_space<hbm>> -> memref<8x8x128xf32, #tpu.memory_space<hbm>>
        %dma_wait3A_298 = arith.constant 0 : i32
        %dma_wait3A_299 = arith.constant 0 : i32
        %dma_wait3A_300 = arith.constant 0 : i32
        %dma_wait3A_301 = tpu.memref_slice %arg10[%dma_wait3A_298, %dma_wait3A_299, %dma_wait3A_300] : memref<8x8x129xf32, #tpu.memory_space<vmem>> -> memref<8x8x128xf32, #tpu.memory_space<vmem>>
        tpu.wait_dma2 semaphore(%arg14 : memref<!tpu.dma_semaphore, #tpu.memory_space<semaphore_mem>>) src(%dma_wait3A_301 : memref<8x8x128xf32, #tpu.memory_space<vmem>>) dst(%dma_wait3A_297 : memref<8x8x128xf32, #tpu.memory_space<hbm>>)
      } else {
      }
      %parallel_loop3A_218 = arith.constant 0 : i32
      %parallel_loop3A_219 = arith.constant 128 : i32
      %parallel_loop3A_220 = arith.constant 1 : i32
      scf.for %parallel_loop3A_282 = %parallel_loop3A_218 to %parallel_loop3A_219 step %parallel_loop3A_220  : i32 {
        %parallel_loop3A_283 = vector.broadcast %parallel_loop3A_282 : i32 to vector<16xi32>
        %parallel_loop3A_284 = arith.constant 2 : i32
        %parallel_loop3A_285 = arith.muli %parallel_loop3A_284, %parallel_loop3A_282 : i32
        %parallel_loop3A_286 = arith.constant 0 : i32
        %parallel_loop3A_287 = arith.addi %parallel_loop3A_285, %parallel_loop3A_286 : i32
        %parallel_loop3A_288 = arith.index_cast %parallel_loop3A_287 : i32 to index
        %parallel_loop3A_289 = arith.constant 0 : index
        %parallel_loop3A_290 = tpu.vector_load %arg8[%parallel_loop3A_288, %parallel_loop3A_289] {strides = array<i32>} : memref<256x32xf32, #tpu.memory_space<vmem>>, vector<16xf32>,
        tpu.vector_store_idx %arg10[%shift_right_arithmetic3A_9, %and3A_32, %parallel_loop3A_283], %parallel_loop3A_290 : memref<8x8x129xf32, #tpu.memory_space<vmem>>[vector<16xi32>, vector<16xi32>, vector<16xi32>], vector<16xf32>,
        %parallel_loop3A_291 = arith.constant 2 : i32
        %parallel_loop3A_292 = arith.muli %parallel_loop3A_291, %parallel_loop3A_282 : i32
        %parallel_loop3A_293 = arith.constant 0 : i32
        %parallel_loop3A_294 = arith.addi %parallel_loop3A_292, %parallel_loop3A_293 : i32
        %parallel_loop3A_295 = arith.index_cast %parallel_loop3A_294 : i32 to index
        %parallel_loop3A_296 = arith.constant 16 : index
        %parallel_loop3A_297 = tpu.vector_load %arg8[%parallel_loop3A_295, %parallel_loop3A_296] {strides = array<i32>} : memref<256x32xf32, #tpu.memory_space<vmem>>, vector<16xf32>,
        tpu.vector_store_idx %arg10[%shift_right_arithmetic3A_15, %and3A_38, %parallel_loop3A_283], %parallel_loop3A_297 : memref<8x8x129xf32, #tpu.memory_space<vmem>>[vector<16xi32>, vector<16xi32>, vector<16xi32>], vector<16xf32>,
        %parallel_loop3A_298 = arith.constant 2 : i32
        %parallel_loop3A_299 = arith.muli %parallel_loop3A_298, %parallel_loop3A_282 : i32
        %parallel_loop3A_300 = arith.constant 1 : i32
        %parallel_loop3A_301 = arith.addi %parallel_loop3A_299, %parallel_loop3A_300 : i32
        %parallel_loop3A_302 = arith.index_cast %parallel_loop3A_301 : i32 to index
        %parallel_loop3A_303 = arith.constant 0 : index
        %parallel_loop3A_304 = tpu.vector_load %arg8[%parallel_loop3A_302, %parallel_loop3A_303] {strides = array<i32>} : memref<256x32xf32, #tpu.memory_space<vmem>>, vector<16xf32>,
        tpu.vector_store_idx %arg10[%shift_right_arithmetic3A_21, %and3A_44, %parallel_loop3A_283], %parallel_loop3A_304 : memref<8x8x129xf32, #tpu.memory_space<vmem>>[vector<16xi32>, vector<16xi32>, vector<16xi32>], vector<16xf32>,
        %parallel_loop3A_305 = arith.constant 2 : i32
        %parallel_loop3A_306 = arith.muli %parallel_loop3A_305, %parallel_loop3A_282 : i32
        %parallel_loop3A_307 = arith.constant 1 : i32
        %parallel_loop3A_308 = arith.addi %parallel_loop3A_306, %parallel_loop3A_307 : i32
        %parallel_loop3A_309 = arith.index_cast %parallel_loop3A_308 : i32 to index
        %parallel_loop3A_310 = arith.constant 16 : index
        %parallel_loop3A_311 = tpu.vector_load %arg8[%parallel_loop3A_309, %parallel_loop3A_310] {strides = array<i32>} : memref<256x32xf32, #tpu.memory_space<vmem>>, vector<16xf32>,
        tpu.vector_store_idx %arg10[%shift_right_arithmetic3A_27, %and3A_50, %parallel_loop3A_283], %parallel_loop3A_311 : memref<8x8x129xf32, #tpu.memory_space<vmem>>[vector<16xi32>, vector<16xi32>, vector<16xi32>], vector<16xf32>,
      } {sc.loop_unroll_factor = 8 : i64, sc.parallel_access}
      %add3A_221 = arith.constant 1 : i32
      %add3A_222 = arith.addi %mul3A_114, %add3A_221 : i32
      %add3A_223 = arith.addi %mul3A_4, %add3A_222 : i32
      %jit3A_224 = arith.constant 32 : i32
      %div3A_225 = arith.divsi %add3A_223, %jit3A_224 : i32
      %sign3A_226 = arith.constant 0 : i32
      %sign3A_227 = arith.cmpi sgt, %add3A_223, %sign3A_226 : i32
      %sign3A_228 = arith.extui %sign3A_227 : i1 to i32
      %sign3A_229 = arith.constant 0 : i32
      %sign3A_230 = arith.cmpi slt, %add3A_223, %sign3A_229 : i32
      %sign3A_231 = arith.extui %sign3A_230 : i1 to i32
      %sign3A_232 = arith.subi %sign3A_228, %sign3A_231 : i32
      %sign3A_233 = arith.constant 0 : i32
      %sign3A_234 = arith.cmpi sgt, %jit3A_224, %sign3A_233 : i32
      %sign3A_235 = arith.extui %sign3A_234 : i1 to i32
      %sign3A_236 = arith.constant 0 : i32
      %sign3A_237 = arith.cmpi slt, %jit3A_224, %sign3A_236 : i32
      %sign3A_238 = arith.extui %sign3A_237 : i1 to i32
      %sign3A_239 = arith.subi %sign3A_235, %sign3A_238 : i32
      %ne3A_240 = arith.cmpi ne, %sign3A_232, %sign3A_239 : i32
      %rem3A_241 = arith.remsi %add3A_223, %jit3A_224 : i32
      %ne3A_242 = arith.constant 0 : i32
      %ne3A_243 = arith.cmpi ne, %rem3A_241, %ne3A_242 : i32
      %and3A_244 = arith.andi %ne3A_240, %ne3A_243 : i1
      %sub3A_245 = arith.constant 1 : i32
      %sub3A_246 = arith.subi %div3A_225, %sub3A_245 : i32
      %select_n3A_247 = arith.select %and3A_244, %sub3A_246, %div3A_225 : i32
      %jit3A_248 = arith.constant 32 : i32
      %eq3A_249 = arith.constant 0 : i32
      %eq3A_250 = arith.cmpi eq, %jit3A_248, %eq3A_249 : i32
      %jit3A_251 = arith.constant 1 : i32
      %select_n3A_252 = arith.select %eq3A_250, %jit3A_251, %jit3A_248 : i32
      %rem3A_253 = arith.remsi %add3A_223, %select_n3A_252 : i32
      %ne3A_254 = arith.constant 0 : i32
      %ne3A_255 = arith.cmpi ne, %rem3A_253, %ne3A_254 : i32
      %lt3A_256 = arith.constant 0 : i32
      %lt3A_257 = arith.cmpi slt, %rem3A_253, %lt3A_256 : i32
      %lt3A_258 = arith.constant 0 : i32
      %lt3A_259 = arith.cmpi slt, %select_n3A_252, %lt3A_258 : i32
      %ne3A_260 = arith.xori %lt3A_257, %lt3A_259 : i1
      %and3A_261 = arith.andi %ne3A_260, %ne3A_255 : i1
      %add3A_262 = arith.addi %rem3A_253, %select_n3A_252 : i32
      %select_n3A_263 = arith.select %and3A_261, %add3A_262, %rem3A_253 : i32
      %dma_start3A_264 = arith.constant 0 : i32
      %dma_start3A_265 = arith.constant 0 : i32
      %dma_start3A_266 = arith.constant 0 : i32
      %dma_start3A_267 = tpu.memref_slice %arg10[%dma_start3A_264, %dma_start3A_265, %dma_start3A_266] : memref<8x8x129xf32, #tpu.memory_space<vmem>> -> memref<8x8x128xf32, #tpu.memory_space<vmem>>
      %dma_start3A_268 = arith.constant 0 : i32
      %dma_start3A_269 = arith.constant 0 : i32
      %dma_start3A_270 = arith.constant 0 : i32
      %dma_start3A_271 = tpu.memref_slice %arg4[%select_n3A_247, %dma_start3A_268, %select_n3A_263, %dma_start3A_269, %dma_start3A_270] : memref<50x8x32x8x128xf32, #tpu.memory_space<hbm>> -> memref<1x8x1x8x128xf32, #tpu.memory_space<hbm>>
      %dma_start3A_272 = tpu.memref_squeeze %dma_start3A_271 : memref<1x8x1x8x128xf32, #tpu.memory_space<hbm>> -> memref<8x8x128xf32, #tpu.memory_space<hbm>>
      %dma_start3A_273 = arith.constant 0 : i32
      %dma_start3A_274 = arith.constant 0 : i32
      %dma_start3A_275 = arith.constant 0 : i32
      %dma_start3A_276 = tpu.memref_slice %arg4[%select_n3A_247, %dma_start3A_273, %select_n3A_263, %dma_start3A_274, %dma_start3A_275] : memref<50x8x32x8x128xf32, #tpu.memory_space<hbm>> -> memref<1x8x1x8x128xf32, #tpu.memory_space<hbm>>
      %dma_start3A_277 = tpu.memref_squeeze %dma_start3A_276 : memref<1x8x1x8x128xf32, #tpu.memory_space<hbm>> -> memref<8x8x128xf32, #tpu.memory_space<hbm>>
      %dma_start3A_278 = arith.constant 0 : i32
      %dma_start3A_279 = arith.constant 0 : i32
      %dma_start3A_280 = arith.constant 0 : i32
      %dma_start3A_281 = tpu.memref_slice %arg10[%dma_start3A_278, %dma_start3A_279, %dma_start3A_280] : memref<8x8x129xf32, #tpu.memory_space<vmem>> -> memref<8x8x128xf32, #tpu.memory_space<vmem>>
      tpu.enqueue_dma source(%dma_start3A_281 : memref<8x8x128xf32, #tpu.memory_space<vmem>>) target(%dma_start3A_277 : memref<8x8x128xf32, #tpu.memory_space<hbm>>) target_semaphore(%arg14 : memref<!tpu.dma_semaphore, #tpu.memory_space<semaphore_mem>>)
    }
    %scan3A_72 = arith.constant 25 : i32
    %dma_wait3A = arith.constant 0 : i32
    %dma_wait3A_73 = arith.constant 0 : i32
    %dma_wait3A_74 = arith.constant 0 : i32
    %dma_wait3A_75 = arith.constant 0 : i32
    %dma_wait3A_76 = arith.constant 0 : i32
    %dma_wait3A_77 = tpu.memref_slice %arg9[%dma_wait3A_74, %dma_wait3A_75, %dma_wait3A_76] : memref<8x8x129xf32, #tpu.memory_space<vmem>> -> memref<8x8x128xf32, #tpu.memory_space<vmem>>
    %dma_wait3A_78 = arith.constant 0 : i32
    %dma_wait3A_79 = arith.constant 0 : i32
    %dma_wait3A_80 = arith.constant 0 : i32
    %dma_wait3A_81 = tpu.memref_slice %arg4[%dma_wait3A, %dma_wait3A_78, %dma_wait3A_73, %dma_wait3A_79, %dma_wait3A_80] : memref<50x8x32x8x128xf32, #tpu.memory_space<hbm>> -> memref<1x8x1x8x128xf32, #tpu.memory_space<hbm>>
    %dma_wait3A_82 = tpu.memref_squeeze %dma_wait3A_81 : memref<1x8x1x8x128xf32, #tpu.memory_space<hbm>> -> memref<8x8x128xf32, #tpu.memory_space<hbm>>
    %dma_wait3A_83 = arith.constant 0 : i32
    %dma_wait3A_84 = arith.constant 0 : i32
    %dma_wait3A_85 = arith.constant 0 : i32
    %dma_wait3A_86 = tpu.memref_slice %arg4[%dma_wait3A, %dma_wait3A_83, %dma_wait3A_73, %dma_wait3A_84, %dma_wait3A_85] : memref<50x8x32x8x128xf32, #tpu.memory_space<hbm>> -> memref<1x8x1x8x128xf32, #tpu.memory_space<hbm>>
    %dma_wait3A_87 = tpu.memref_squeeze %dma_wait3A_86 : memref<1x8x1x8x128xf32, #tpu.memory_space<hbm>> -> memref<8x8x128xf32, #tpu.memory_space<hbm>>
    %dma_wait3A_88 = arith.constant 0 : i32
    %dma_wait3A_89 = arith.constant 0 : i32
    %dma_wait3A_90 = arith.constant 0 : i32
    %dma_wait3A_91 = tpu.memref_slice %arg9[%dma_wait3A_88, %dma_wait3A_89, %dma_wait3A_90] : memref<8x8x129xf32, #tpu.memory_space<vmem>> -> memref<8x8x128xf32, #tpu.memory_space<vmem>>
    tpu.wait_dma2 semaphore(%arg13 : memref<!tpu.dma_semaphore, #tpu.memory_space<semaphore_mem>>) src(%dma_wait3A_91 : memref<8x8x128xf32, #tpu.memory_space<vmem>>) dst(%dma_wait3A_87 : memref<8x8x128xf32, #tpu.memory_space<hbm>>)
    %dma_wait3A_92 = arith.constant 0 : i32
    %dma_wait3A_93 = arith.constant 0 : i32
    %dma_wait3A_94 = arith.constant 0 : i32
    %dma_wait3A_95 = arith.constant 0 : i32
    %dma_wait3A_96 = arith.constant 0 : i32
    %dma_wait3A_97 = tpu.memref_slice %arg10[%dma_wait3A_94, %dma_wait3A_95, %dma_wait3A_96] : memref<8x8x129xf32, #tpu.memory_space<vmem>> -> memref<8x8x128xf32, #tpu.memory_space<vmem>>
    %dma_wait3A_98 = arith.constant 0 : i32
    %dma_wait3A_99 = arith.constant 0 : i32
    %dma_wait3A_100 = arith.constant 0 : i32
    %dma_wait3A_101 = tpu.memref_slice %arg4[%dma_wait3A_92, %dma_wait3A_98, %dma_wait3A_93, %dma_wait3A_99, %dma_wait3A_100] : memref<50x8x32x8x128xf32, #tpu.memory_space<hbm>> -> memref<1x8x1x8x128xf32, #tpu.memory_space<hbm>>
    %dma_wait3A_102 = tpu.memref_squeeze %dma_wait3A_101 : memref<1x8x1x8x128xf32, #tpu.memory_space<hbm>> -> memref<8x8x128xf32, #tpu.memory_space<hbm>>
    %dma_wait3A_103 = arith.constant 0 : i32
    %dma_wait3A_104 = arith.constant 0 : i32
    %dma_wait3A_105 = arith.constant 0 : i32
    %dma_wait3A_106 = tpu.memref_slice %arg4[%dma_wait3A_92, %dma_wait3A_103, %dma_wait3A_93, %dma_wait3A_104, %dma_wait3A_105] : memref<50x8x32x8x128xf32, #tpu.memory_space<hbm>> -> memref<1x8x1x8x128xf32, #tpu.memory_space<hbm>>
    %dma_wait3A_107 = tpu.memref_squeeze %dma_wait3A_106 : memref<1x8x1x8x128xf32, #tpu.memory_space<hbm>> -> memref<8x8x128xf32, #tpu.memory_space<hbm>>
    %dma_wait3A_108 = arith.constant 0 : i32
    %dma_wait3A_109 = arith.constant 0 : i32
    %dma_wait3A_110 = arith.constant 0 : i32
    %dma_wait3A_111 = tpu.memref_slice %arg10[%dma_wait3A_108, %dma_wait3A_109, %dma_wait3A_110] : memref<8x8x129xf32, #tpu.memory_space<vmem>> -> memref<8x8x128xf32, #tpu.memory_space<vmem>>
    tpu.wait_dma2 semaphore(%arg14 : memref<!tpu.dma_semaphore, #tpu.memory_space<semaphore_mem>>) src(%dma_wait3A_111 : memref<8x8x128xf32, #tpu.memory_space<vmem>>) dst(%dma_wait3A_107 : memref<8x8x128xf32, #tpu.memory_space<hbm>>)
    return
  }
}

</mosaic_0001>

<sc_bundles>
// kernel: kernel.3.cloned.1.call-start
scs
__scs_entry_jumppad:
0x0: {  	(pc) =	sbr.rel $0x88, $3  }
0x1: {  	(tag) =	ssettag $0x0;
	lr =	simm.s32 $0x1  }
0x2: {  	[smem:$0x3F9F] =	sst lr;
	_ =	strace $0xD0000000  }
0x3: {  	_ = 	snop  }
0x4: {  	_ = 	snop  }
0x5: {  	_ = 	snop  }
0x6: {  	_ = 	snop  }
0x7: {  	_ = 	snop  }
__scs_overlays_trampoline_lowered:
0x8: {  	[smem:$0x3FAE] =	sst s0  }
0x9: {  	[smem:$0x3FAF] =	sst s1  }
0xa: {  	[smem:$0x3FB0] =	sst s2  }
0xb: {  	[smem:$0x3FB1] =	sst s3  }
0xc: {  	[smem:$0x3FB2] =	sst s4  }
0xd: {  	[smem:$0x3FB3] =	sst s5  }
0xe: {  	[smem:$0x3FB4] =	sst s6  }
0xf: {  	[smem:$0x3FB5] =	sst s7  }
0x10: {  	[smem:$0x3FB6] =	sst s8  }
0x11: {  	[smem:$0x3FB7] =	sst s9;
	s0 =	simm.s32 @!p0 $0x0  }
0x12: {  	s1 =	sld [smem:$0x3F9D];
	s0 =	simm.s32 @p0 $0x1  }
0x13: {  	[smem:$0x3FB8] =	sst s0;
	s0 =	simm.s32 @!p1 $0x0  }
0x14: {  	s2 =	sld [smem:$0x3F9C];
	s0 =	simm.s32 @p1 $0x1  }
0x15: {  	[smem:$0x3FB9] =	sst s0;
	s0 =	simm.s32 @!p2 $0x0  }
0x16: {  	s3 =	sld [smem:$0x3FDB];
	s0 =	simm.s32 @p2 $0x1  }
0x17: {  	s4 =	simm.s32 $0x1BF5;
	[smem:$0x3FBB] =	sst s0  }
0x18: {  	s0 =	sld [smem:$0x3F9E];
	_ =	swait.ge [sflag:s4], $0x0  }
0x19: {  	s7 =	sld [smem:$0x3F9F]  }
0x1a: {  	s8 =	sadd.s32 $0xFFFFE003, lr  }
0x1b: {  	s9 =	sadd.s32 $0xFFFFFEF7, lr;
	s5 =	simm.s32 $0xFFFFFFFF;
	p2 =	slt.u32 s8, $0xFFFFF086  }
0x1c: {  	p1 =	slt.u32 s9, $0xF7A;
	s5 =	simm.s32 @!p2 $0x0  }
0x1d: {  	s5 =	simm.s32 @p1 $0x1;
	p0 =	seq.s32 s7, s2  }
0x1e: {  	s7 =	smul.u32 @!p0 $0xF7A, s2;
	p2 =	seq.s32 @!p0 s5, $0x0  }
0x1f: {  	s9 =	smul.u32 $0xF7A, s1;
	s8 =	simm.s32 @!p0 $0x1BF5;
	p2 =	por !p2, p0  }
0x20: {  	[sflag:s8] =	ssyncset.s32 @!p0 $0xFFFFF086;
	s6 =	sadd.s32 @!p0 s3, s7;
	s7 =	simm.s32 @!p0 $0x108  }
0x21: {  	s3 =	sadd.s32 s3, s9;
	s6 =	sadd.s32 @!p0 $0x88, s6;
	s7 =	simm.s32 @p2 $0x1082  }
0x22: {  	[simem:s7], [sflag:s8] =	dma.local @!p0 [hbm:s6], $0xF7A  }
0x23: {  	s9 =	sor.u32 $0xD0000000, s2;
	s6 =	simm.s32 $0x108;
	_ =	swait.ge @!p0 [sflag:s8], $0x0  }
0x24: {  	s3 =	sadd.s32 $0x88, s3;
	s6 =	simm.s32 @!p1 $0x1082;
	[sflag:s4] =	ssyncset.s32 $0xFFFFF086  }
0x25: {  	[simem:s6], [sflag:s4] =	dma.local [hbm:s3], $0xF7A  }
0x26: {  	[smem:$0x3F9F] =	sst s1;
	(tag) =	ssettag s2;
	_ =	strace s9  }
0x27: {  	s1 =	sld [smem:$0x3FAF]  }
0x28: {  	s2 =	sld [smem:$0x3FB0]  }
0x29: {  	s4 =	sld [smem:$0x3FB2]  }
0x2a: {  	p0 =	seq.s32 s5, $0x0;
	s5 =	sld [smem:$0x3FB3]  }
0x2b: {  	s6 =	sld [smem:$0x3FB4]  }
0x2c: {  	s7 =	sld [smem:$0x3FB5]  }
0x2d: {  	s3 =	simm.s32 $0x108;
	s8 =	sld [smem:$0x3FB6]  }
0x2e: {  	s3 =	simm.s32 @!p0 $0x1082;
	s9 =	sld [smem:$0x3FB7]  }
0x2f: {  	lr =	sadd.s32 s0, s3;
	s0 =	sld [smem:$0x3FAE]  }
0x30: {  	s3 =	sld [smem:$0x3FB1]  }
0x31: {  	[smem:$0x3FBA] =	sst s10  }
0x32: {  	s10 =	sld [smem:$0x3FB8];
	_ =	sdelay $0x3  }
0x33: {  	p0 =	seq.s32 s10, $0x1;
	s10 =	sld [smem:$0x3FBA];
	_ =	sdelay $0x3  }
0x34: {  	[smem:$0x3FBA] =	sst s10  }
0x35: {  	s10 =	sld [smem:$0x3FB9];
	_ =	sdelay $0x3  }
0x36: {  	p1 =	seq.s32 s10, $0x1;
	s10 =	sld [smem:$0x3FBA];
	_ =	sdelay $0x3  }
0x37: {  	[smem:$0x3FBA] =	sst s10  }
0x38: {  	s10 =	sld [smem:$0x3FBB]  }
0x39: {  	_ = 	snop;
	(pc) =	sbr.ind lr, $3  }
0x3a: {  	_ = 	snop  }
0x3b: {  	_ = 	snop  }
0x3c: {  	p2 =	seq.s32 s10, $0x1;
	s10 =	sld [smem:$0x3FBA]  }
0x3d: {  	_ =	shalt  }
0x3e: {  	_ =	shalt  }
0x3f: {  	_ =	shalt  }
0x40: {  	_ =	shalt  }
0x41: {  	_ =	shalt  }
0x42: {  	_ =	shalt  }
0x43: {  	_ =	shalt  }
0x44: {  	_ =	shalt  }
0x45: {  	_ =	shalt  }
0x46: {  	_ =	shalt  }
0x47: {  	_ =	shalt  }
0x48: {  	_ =	shalt  }
0x49: {  	_ =	shalt  }
0x4a: {  	_ =	shalt  }
0x4b: {  	_ =	shalt  }
0x4c: {  	_ =	shalt  }
0x4d: {  	_ =	shalt  }
0x4e: {  	_ =	shalt  }
0x4f: {  	_ =	shalt  }
0x50: {  	_ =	shalt  }
0x51: {  	_ =	shalt  }
0x52: {  	_ =	shalt  }
0x53: {  	_ =	shalt  }
0x54: {  	_ =	shalt  }
0x55: {  	_ =	shalt  }
0x56: {  	_ =	shalt  }
0x57: {  	_ =	shalt  }
0x58: {  	_ =	shalt  }
0x59: {  	_ =	shalt  }
0x5a: {  	_ =	shalt  }
0x5b: {  	_ =	shalt  }
0x5c: {  	_ =	shalt  }
0x5d: {  	_ =	shalt  }
0x5e: {  	_ =	shalt  }
0x5f: {  	_ =	shalt  }
0x60: {  	_ =	shalt  }
0x61: {  	_ =	shalt  }
0x62: {  	_ =	shalt  }
0x63: {  	_ =	shalt  }
0x64: {  	_ =	shalt  }
0x65: {  	_ =	shalt  }
0x66: {  	_ =	shalt  }
0x67: {  	_ =	shalt  }
0x68: {  	_ =	shalt  }
0x69: {  	_ =	shalt  }
0x6a: {  	_ =	shalt  }
0x6b: {  	_ =	shalt  }
0x6c: {  	_ =	shalt  }
0x6d: {  	_ =	shalt  }
0x6e: {  	_ =	shalt  }
0x6f: {  	_ =	shalt  }
0x70: {  	_ =	shalt  }
0x71: {  	_ =	shalt  }
0x72: {  	_ =	shalt  }
0x73: {  	_ =	shalt  }
0x74: {  	_ =	shalt  }
0x75: {  	_ =	shalt  }
0x76: {  	_ =	shalt  }
0x77: {  	_ =	shalt  }
0x78: {  	_ =	shalt  }
0x79: {  	_ =	shalt  }
0x7a: {  	_ =	shalt  }
0x7b: {  	_ =	shalt  }
0x7c: {  	_ =	shalt  }
0x7d: {  	_ =	shalt  }
0x7e: {  	_ =	shalt  }
0x7f: {  	_ =	shalt  }
0x80: {  	_ =	shalt  }
0x81: {  	_ =	shalt  }
0x82: {  	_ =	shalt  }
0x83: {  	_ =	shalt  }
0x84: {  	_ =	shalt  }
0x85: {  	_ =	shalt  }
0x86: {  	_ =	shalt  }
0x87: {  	_ =	shalt  }
.Lfunc_end0:
.L_simem_size_0:
called_computation_lowered:
.L_overlay_start_0:
0x88: {  	s2 =	sld [smem:$0x3FD9]  }
0x89: {  	s3 =	sld [smem:$0x3FFE];
	_ =	sdelay $0x1  }
0x8a: {  	s1 =	srdreg.scid  }
0x8b: {  	s0 =	sand.u32 $0x1, s1  }
0x8c: {  	s17 =	sshll.u32 s0, $0xA;
	s2 =	sadd.s32 s3, s2  }
0x8d: {  	s2 =	sadd.s32 s2, s17  }
0x8e: {  	[smem:$0x3FC6] =	sst s2  }
0x8f: {  	_ = 	snop  }
0x90: {  	s2 =	sld [smem:$0x3FD0];
	(tm) =	ssettm $0x1  }
0x91: {  	s18 =	sld [smem:$0x3FFB];
	_ =	sdelay $0x3  }
0x92: {  	_ =	strace s18  }
0x93: {  	s3 =	sld [smem:$0x3FFC];
	_ =	sdelay $0x3  }
0x94: {  	_ =	strace s3  }
0x95: {  	s3 =	sld [smem:$0x3FFD];
	_ =	sdelay $0x3  }
0x96: {  	_ =	strace s3  }
0x97: {  	_ =	strace $0x8FFFFFFF  }
0x98: {  	s19 =	sld [smem:$0x3FDB];
	_ =	sdelay $0x1  }
0x99: {  	s4 =	simm.s32 $_scs_section_size  }
0x9a: {  	s5 =	simm.s32 $_size__tile_overlayer_lowered;
	s6 =	simm.s32 $_tile_overlayer_lowered  }
0x9b: {  	s22 =	simm.s32 $0x1BFF;
	s21 =	sshll.u32 s6, $0x1;
	s3 =	sadd.s32 s4, s19  }
0x9c: {  	s7 =	simm.s32 $0x0;
	s20 =	sshll.u32 s5, $0x1;
	s5 =	sadd.s32 s21, s3  }
0x9d: {  	[timem:s7], [sflag:s22] =	dma.local [hbm:s5], s20  }
0x9e: {  	_ =	swait.ge [sflag:s22], s20  }
0x9f: {  	s4 =	ssub.s32 $0x0, s20;
	[sflag:s22] =	ssyncset.done $0x0  }
0xa0: {  	[sflag:s22] =	ssyncadd.s32 s4;
	_ =	sdelay $0x1  }
0xa1: {  	s23 =	simm.s32 $0x1B8B  }
0xa2: {  	_ =	swait.ge [sflag:s23], $0x1  }
0xa3: {  	[sflag:s23] =	ssyncset.done $0x0  }
0xa4: {  	s25 =	simm.s32 $0x1B8E;
	s24 =	sld [smem:$0x3FFE];
	[sflag:s23] =	ssyncadd.s32 $0xFFFFFFFF  }
0xa5: {  	s26 =	simm.s32 $execute0_lowered;
	[smem:$0x3FD2] =	sst s25  }
0xa6: {  	s5 =	sshll.u32 s26, $0x1;
	_ =	strace $0x80000046;
	[dreg:$0x1] =	wrdreg $0xFFFFFFFF  }
0xa7: {  	s28 =	simm.s32 $_size_execute0_lowered;
	s3 =	sadd.s32 s3, s5;
	[dreg:$0x0] =	wrdreg $0x0  }
0xa8: {  	s5 =	sshll.u32 s28, $0x1;
	[dreg:$0x2] =	wrdreg s3  }
0xa9: {  	[dreg:$0x3] =	wrdreg s5  }
0xaa: {  	[dreg:$0x4] =	wrdreg $0xC0  }
0xab: {  	_ =	task [dreg:s7], $0x5FFFF  }
0xac: {  	[dreg:$0x1] =	wrdreg $0xFFFFFFFF  }
0xad: {  	[dreg:$0x0] =	wrdreg $0x60  }
0xae: {  	[dreg:$0x2] =	wrdreg s24  }
0xaf: {  	[dreg:$0x3] =	wrdreg s2  }
0xb0: {  	[dreg:$0x4] =	wrdreg $0x9  }
0xb1: {  	_ =	task.clear_ibuf [dreg:s7], $0x5FFFF;
	_ =	strace $0x90000046  }
0xb2: {  	s29 =	simm.s32 $0x9;
	_ =	strace $0x80000048  }
0xb3: {  	_ =	swait.ge [sflag:s29], $0x1  }
0xb4: {  	[sflag:s29] =	ssyncadd.s32 $0xFFFFFFFF  }
0xb5: {  	_ =	strace $0x90000048  }
0xb6: {  	_ =	sfence  }
0xb7: {  	s30 =	sld [smem:$0x0];
	_ =	sdelay $0x2  }
0xb8: {  	s31 =	sshll.u32 s1, $0xD;
	s1 =	sshrl.u32 s1, $0x2  }
0xb9: {  	s3 =	sand.u32 $0x4000, s31;
	s1 =	sadd.s32 s1, s30  }
0xba: {  	s0 =	sor.u32 s3, s0;
	s1 =	sshll.u32 s1, $0x11  }
0xbb: {  	s0 =	sor.u32 s1, s0  }
0xbc: {  	s0 =	sadd.s32 $0x8F2B, s0  }
0xbd: {  	[sflag:s0] =	ssyncadd.remote.s32 $0x1  }
0xbe: {  	_ =	sfence.sel $0xFFFF  }
0xbf: {  	[dreg:$0x0] =	wrdreg $0xFFFFFFFF;
	(pc) =	sbr.abs _section_cstart, $3  }
0xc0: {  	[dreg:$0x1] =	wrdreg $0xFFFFFFFF  }
0xc1: {  	_ =	task.clear_ibuf [dreg:s7], $0x2FFFF;
	_ =	strace $0x9FFFFFFF  }
0xc2: {  	(tm) =	ssettm $0x7FFFFFFF  }
0xc3: {  	_ =	shalt  }
tec
execute0_lowered:
.L_overlay_start_1:
0x0: {  	(tag) =	ssettag $0x1  }
0x1: {  	v4 =	vlaneseq.u32  }
0x2: {  	v7 =	vimm.s32 $0x0;
	v0 =	vand.u32 $0x3, v4  }
0x3: {  	vm0 =	vcmask $0x300;
	v6 =	vmul.u32 $0x2, v0;
	v0 =	vmul.u32 $0x2, v4  }
0x4: {  	v7 =	vsel vm0, $0x3, v7;
	v4 =	vmul.u32 $0x88, v4  }
0x5: {  	s4 =	rddreg [dreg:$0x0];
	s1 =	srdreg.scid;
	v1 =	vor.u32 $0xFFFFFF98, v6;
	v2 =	vor.u32 $0x1, v0;
	v3 =	vor.u32 $0xFFFFFFB8, v6  }
0x6: {  	s0 =	stileid.u32;
	s2 =	rddreg [dreg:$0x1];
	v5 =	vor.u32 $0xFFFFFFD8, v6;
	v6 =	vor.u32 $0xFFFFFFF8, v6;
	v8 =	vadd.s32 $0x880, v4  }
0x7: {  	s3 =	simm.s32 $0x0;
	s9 =	simm.s32 $0x1900;
	s10 =	simm.s32 $0x80;
	v9 =	vadd.s32 $0x1100, v4;
	v10 =	vadd.s32 $0x1980, v4;
	v11 =	vor.u32 $0x1, v4  }
0x8: {  	s11 =	simm.s32 $0x4B00;
	s12 =	simm.s32 $0x1980;
	s13 =	simm.s32 $0x5B00;
	v12 =	vadd.s32 $0x881, v4;
	v13 =	vadd.s32 $0x1101, v4;
	v14 =	vadd.s32 $0x1981, v4  }
0x9: {  	s14 =	simm.s32 $0x6B00;
	s15 =	simm.s32 $0x7B00;
	s16 =	simm.s32 $0x1;
	v15 =	vor.u32 $0x2, v4;
	v16 =	vadd.s32 $0x882, v4;
	v17 =	vadd.s32 $0x1102, v4  }
0xa: {  	s17 =	simm.s32 $0x8B00;
	s18 =	simm.s32 $0x2;
	s19 =	simm.s32 $0x4;
	v18 =	vadd.s32 $0x1982, v4;
	v19 =	vor.u32 $0x3, v4;
	v20 =	vadd.s32 $0x883, v4  }
0xb: {  	s20 =	simm.s32 $0xAD00;
	s5 =	sand.u32 $0x1, s1;
	s6 =	sshll.u32 s0, $0x1;
	v21 =	vadd.s32 $0x1103, v4;
	v22 =	vadd.s32 $0x1983, v4;
	v23 =	vor.u32 $0x4, v4  }
0xc: {  	s21 =	simm.s32 $0x3;
	s6 =	sor.u32 s5, s6;
	s5 =	ssub.s32 $0x2, s5;
	v24 =	vadd.s32 $0x884, v4;
	v25 =	vadd.s32 $0x1104, v4;
	v26 =	vadd.s32 $0x1984, v4  }
0xd: {  	[smem:$0x7FF] =	sst s3;
	s7 =	smul.u32 $0x320, s6;
	s8 =	sshrl.u32 s5, $0x1;
	v27 =	vor.u32 $0x5, v4;
	v28 =	vadd.s32 $0x885, v4;
	v29 =	vadd.s32 $0x1105, v4  }
0xe: {  	s22 =	simm.s32 $0x0;
	_ =	strace $0x80000047;
	s8 =	ssub.s32 s5, s8;
	v30 =	vadd.s32 $0x1985, v4;
	v31 =	vor.u32 $0x6, v4;
	v32 =	vadd.s32 $0x886, v4;
	[tilespmem:$0x1FFD0] =	vst v1  }
0xf: {  	s5 =	smul.u32 $0x32, s6;
	v33 =	vadd.s32 $0x1106, v4;
	v34 =	vadd.s32 $0x1986, v4;
	v35 =	vor.u32 $0x7, v4;
	s7 =	sadd.s32 s7, s4;
	s4 =	sadd.s32 $0x6800, s4;
	[tilespmem:$0x1FFE0] =	vst v3  }
0x10: {  	v36 =	vadd.s32 $0x887, v4;
	v37 =	vadd.s32 $0x1107, v4;
	v38 =	vadd.s32 $0x1987, v4;
	[tilespmem:$0x1FFF0] =	vst v5;
	s6 =	sadd.s32 $0x400, s7;
	s7 =	smax.u32 s8, $0x1;
	s8 =	simm.s32 $0x5  }
.LBB2_1:
0x11: {  	[tilespmem:s3], [sflag:$0x5] =	stream.linear.gather [hbm4b:s6+s3], $0x1900, $0x38;
	[tilespmem:$0xCF00] =	vst v63  }
0x12: {  	_ =	swait.ge [sflag:s8], $0x1900  }
0x13: {  	[sflag:s8] =	ssyncset.done $0x0  }
0x14: {  	s23 =	simm.s32 $0x60;
	s24 =	simm.s32 $0x20;
	[sflag:s8] =	ssyncadd.s32 $0xFFFFE700  }
0x15: {  	v39 =	vor.u32 s23, v0;
	v42 =	vld [tilespmem:s24+$0x10]  }
0x16: {  	v46 =	vand.u32 v6, v39;
	_ =	sdelay $0x2  }
0x17: {  	s26 =	simm.s32 $0x20;
	v45 =	vld [tilespmem:s24+$0xFFFFFFF0]  }
0x18: {  	s25 =	simm.s32 $0x0;
	v50 =	vor.u32 s23, v2;
	v40 =	vor.u32 s26, v0;
	v49 =	vld [tilespmem:s24+$0x0];
	v42 =	vshll.u32 v42, $0x2  }
0x19: {  	s28 =	simm.s32 $0x40;
	v62 =	vor.u32 s25, v0;
	v44 =	vand.u32 v3, v40;
	[tilespmem:v46+s9+$0x0] =	vst.idx.msk $0xffff, v42;
	v46 =	vld [tilespmem:s24+$0xFFFFFFE0]  }
0x1a: {  	v63 =	vor.u32 s28, v0;
	v41 =	vand.u32 v1, v62  }
0x1b: {  	v43 =	vor.u32 s26, v2;
	v40 =	vand.u32 v5, v63  }
0x1c: {  	v39 =	vor.u32 s25, v2;
	v48 =	vshll.u32 v45, $0x2;
	v51 =	vor.u32 $0x1, v42  }
0x1d: {  	s23 =	simm.s32 $0x0;
	s25 =	simm.s32 $0x60;
	v45 =	vshll.u32 v49, $0x2;
	v42 =	vor.u32 s28, v2;
	v47 =	vor.u32 $0x1, v48;
	s24 =	simm.s32 $0xE0;
	[tilespmem:v50+s9+$0x0] =	vst.idx.msk $0xffff, v51  }
.LBB2_2:
0x1e: {  	s26 =	sadd.s32 $0xFFFFFFA0, s24;
	s28 =	sadd.s32 $0xFFFFFFC0, s24;
	v49 =	vld [tilespmem:s25+$0x10];
	v50 =	vor.u32 s24, v0;
	s23 =	sadd.s32 $0x4, s23;
	v51 =	vshll.u32 v46, $0x2;
	[tilespmem:v44+s9+$0x0] =	vst.idx.msk $0xffff, v48;
	v48 =	vor.u32 $0x1, v45  }
0x1f: {  	s29 =	sadd.s32 $0xFFFFFFE0, s24;
	v44 =	vor.u32 s26, v0;
	v52 =	vld [tilespmem:s25+$0xFFFFFFF0];
	v53 =	vor.u32 s28, v0;
	v50 =	vand.u32 v6, v50;
	p0 =	slt.u32 s23, $0x18C;
	[tilespmem:v41+s9+$0x0] =	vst.idx.msk $0xffff, v51  }
0x20: {  	v56 =	vor.u32 s24, v2;
	v55 =	vor.u32 s29, v0;
	v41 =	vand.u32 v1, v44;
	v54 =	vld [tilespmem:s25+$0x0];
	[tilespmem:v43+s9+$0x0] =	vst.idx.msk $0xffff, v47  }
.Ltmp0:
0x21: {  	v44 =	vand.u32 v3, v53;
	v47 =	vor.u32 $0x1, v51;
	v46 =	vld [tilespmem:s25+$0xFFFFFFE0];
	[tilespmem:v40+s9+$0x0] =	vst.idx.msk $0xffff, v45;
	v40 =	vand.u32 v5, v55;
	(pc) =	sbr.rel @p0 .LBB2_2-.Ltmp0, $4  }
0x22: {  	v43 =	vor.u32 s28, v2;
	v45 =	vor.u32 s29, v2;
	[tilespmem:v39+s9+$0x0] =	vst.idx.msk $0xffff, v47;
	v39 =	vor.u32 s26, v2  }
0x23: {  	v47 =	vshll.u32 v49, $0x2;
	[tilespmem:v42+s9+$0x0] =	vst.idx.msk $0xffff, v48;
	v42 =	vmov v45  }
0x24: {  	v48 =	vshll.u32 v52, $0x2;
	[tilespmem:v50+s9+$0x0] =	vst.idx.msk $0xffff, v47;
	v49 =	vor.u32 $0x1, v47  }
0x25: {  	s24 =	sadd.s32 $0x80, s24;
	s25 =	sadd.s32 $0x40, s25;
	v47 =	vor.u32 $0x1, v48;
	v45 =	vshll.u32 v54, $0x2;
	[tilespmem:v56+s9+$0x0] =	vst.idx.msk $0xffff, v49  }
0x26: {  	_ =	sdelay $0x3  }
0x27: {  	[tilespmem:v44+s9+$0x0] =	vst.idx.msk $0xffff, v48  }
0x28: {  	v46 =	vshll.u32 v46, $0x2;
	[tilespmem:v40+s9+$0x0] =	vst.idx.msk $0xffff, v45  }
0x29: {  	[tilespmem:v41+s9+$0x0] =	vst.idx.msk $0xffff, v46  }
0x2a: {  	v63 =	vor.u32 $0x1, v45;
	[tilespmem:v43+s9+$0x0] =	vst.idx.msk $0xffff, v47  }
0x2b: {  	v62 =	vor.u32 $0x1, v46;
	[tilespmem:v42+s9+$0x0] =	vst.idx.msk $0xffff, v63  }
0x2c: {  	[tilespmem:v39+s9+$0x0] =	vst.idx.msk $0xffff, v62  }
0x2d: {  	[tilespmem:s11], [sflag:$0x1] =	stream.indirect.gather [hbm4b:s4+s10], $0x20, s9, s10, $0xb8;
	[tilespmem:$0xCF00] =	vst v63  }
0x2e: {  	s23 =	simm.s32 $0x0;
	s24 =	simm.s32 $0x0  }
0x2f: {  	[tilespmem:s13], [sflag:$0x1] =	stream.indirect.gather [hbm4b:s4+s10], $0x20, s12, s10, $0xb8;
	[tilespmem:$0xCF00] =	vst v63  }
.LBB2_4:
0x30: {  	s25 =	sshllo.u32 s24, $0x1  }
0x31: {  	s26 =	sshll.u32 s25, $0x8  }
0x32: {  	s26 =	sand.u32 $0x3FFFFF00, s26  }
0x33: {  	s1 =	simm.s32 $0x1;
	s31 =	simm.s32 $0x3;
	s28 =	sadd.s32 $0x1900, s26  }
0x34: {  	[tilespmem:s14], [sflag:$0x2] =	stream.indirect.gather [hbm4b:s4+s10], $0x20, s28, s10, $0xb8;
	[tilespmem:$0xCF00] =	vst v63  }
0x35: {  	v39 =	vmov s23;
	s29 =	simm.s32 $0x7;
	v40 =	vmov s1;
	s1 =	simm.s32 $0x5;
	s26 =	sadd.s32 $0x1980, s26  }
0x36: {  	v39 =	vshrl.u32 v39, $0x3;
	[tilespmem:s15], [sflag:$0x2] =	stream.indirect.gather [hbm4b:s4+s10], $0x20, s26, s10, $0xb8;
	[tilespmem:$0xCF00] =	vst v63  }
0x37: {  	p0 =	seq.s32 s24, $0x0;
	v42 =	vmov s31;
	v44 =	vmov s29;
	v45 =	vmov s1;
	s28 =	simm.s32 $0x2;
	_ =	swait.ge [sflag:s16], $0x2000  }
0x38: {  	s31 =	simm.s32 $0x6;
	v39 =	vshll.u32 v39, v7;
	v44 =	vshrl.u32 v44, $0x3;
	v41 =	vmov s28;
	s28 =	simm.s32 $0x4;
	[sflag:s16] =	ssyncset.done $0x0  }
0x39: {  	v46 =	vmov s31;
	v40 =	vshrl.u32 v40, $0x3;
	v43 =	vmov s28;
	s28 =	simm.s32 @!p0 $0x3;
	[sflag:s16] =	ssyncadd.s32 $0xFFFFE000  }
0x3a: {  	v42 =	vshrl.u32 v42, $0x3;
	v44 =	vshll.u32 v44, v7;
	v39 =	vbroadcast v39, $0x0;
	_ =	swait.ge @!p0 [sflag:s28], $0x2000  }
0x3b: {  	v40 =	vshll.u32 v40, v7;
	v61 =	vshll.u32 v42, v7;
	v44 =	vbroadcast v44, $0x0;
	[sflag:s28] =	ssyncset.done @!p0 $0x0  }
0x3c: {  	v63 =	vshrl.u32 v45, $0x3;
	v46 =	vshrl.u32 v46, $0x3;
	v41 =	vshrl.u32 v41, $0x3;
	[sflag:s28] =	ssyncadd.s32 @!p0 $0xFFFFE000;
	s28 =	simm.s32 $0x4C00  }
0x3d: {  	v53 =	vbroadcast v40, $0x0;
	v48 =	vadd.s32 v35, v44;
	v60 =	vshll.u32 v41, v7;
	v47 =	vld [tilespmem:s28+$0xC0]  }
0x3e: {  	v50 =	vadd.s32 v4, v39;
	v43 =	vshrl.u32 v43, $0x3;
	v59 =	vbroadcast v60, $0x0;
	v49 =	vld [tilespmem:s28+$0xFFFFFF00]  }
0x3f: {  	v52 =	vadd.s32 v11, v53;
	v41 =	vbroadcast v61, $0x0;
	v62 =	vshll.u32 v43, v7;
	v51 =	vld [tilespmem:s28+$0xFFFFFF40]  }
0x40: {  	v42 =	vshll.u32 v63, v7;
	v40 =	vbroadcast v62, $0x0;
	v55 =	vadd.s32 v15, v59;
	v54 =	vld [tilespmem:s28+$0xFFFFFF80]  }
0x41: {  	v43 =	vbroadcast v42, $0x0;
	v60 =	vshll.u32 v46, v7;
	v56 =	vadd.s32 v19, v41;
	v45 =	vld [tilespmem:s28+$0xFFFFFFC0]  }
0x42: {  	v42 =	vbroadcast v60, $0x0;
	v58 =	vadd.s32 v23, v40;
	v57 =	vld [tilespmem:s28+$0x0];
	[tilespmem:v48+s17+$0x0] =	vst.idx.msk $0xffff, v47  }
0x43: {  	v63 =	vadd.s32 v27, v43;
	v62 =	vld [tilespmem:s28+$0x40];
	[tilespmem:v50+s17+$0x0] =	vst.idx.msk $0xffff, v49  }
0x44: {  	[tilespmem:v52+s17+$0x0] =	vst.idx.msk $0xffff, v51;
	v50 =	vld [tilespmem:s28+$0x80];
	v51 =	vadd.s32 v31, v42  }
0x45: {  	v61 =	vadd.s32 v36, v44;
	[tilespmem:v55+s17+$0x0] =	vst.idx.msk $0xffff, v54;
	v46 =	vld [tilespmem:s28+$0xD0]  }
0x46: {  	v54 =	vadd.s32 v12, v53;
	[tilespmem:v56+s17+$0x0] =	vst.idx.msk $0xffff, v45;
	v52 =	vld [tilespmem:s28+$0xFFFFFF50]  }
0x47: {  	v55 =	vadd.s32 v16, v59;
	[tilespmem:v58+s17+$0x0] =	vst.idx.msk $0xffff, v57;
	v45 =	vld [tilespmem:s28+$0xFFFFFF90]  }
0x48: {  	v60 =	vadd.s32 v20, v41;
	[tilespmem:v63+s17+$0x0] =	vst.idx.msk $0xffff, v62;
	v56 =	vld [tilespmem:s28+$0xFFFFFFD0]  }
0x49: {  	v63 =	vadd.s32 v24, v40;
	v62 =	vld [tilespmem:s28+$0x10];
	[tilespmem:v51+s17+$0x0] =	vst.idx.msk $0xffff, v50  }
0x4a: {  	v50 =	vld [tilespmem:s28+$0x50];
	v51 =	vadd.s32 v28, v43;
	[tilespmem:v61+s17+$0x0] =	vst.idx.msk $0xffff, v46  }
0x4b: {  	v61 =	vadd.s32 v37, v44;
	[tilespmem:v54+s17+$0x0] =	vst.idx.msk $0xffff, v52;
	v46 =	vld [tilespmem:s28+$0xE0]  }
0x4c: {  	[tilespmem:v55+s17+$0x0] =	vst.idx.msk $0xffff, v45;
	v45 =	vld [tilespmem:s28+$0x90];
	v52 =	vadd.s32 v32, v42  }
0x4d: {  	v54 =	vld [tilespmem:s28+$0xFFFFFF10];
	v55 =	vadd.s32 v8, v39;
	[tilespmem:v60+s17+$0x0] =	vst.idx.msk $0xffff, v56  }
0x4e: {  	v57 =	vadd.s32 v13, v53;
	[tilespmem:v63+s17+$0x0] =	vst.idx.msk $0xffff, v62;
	v56 =	vld [tilespmem:s28+$0xFFFFFF60]  }
0x4f: {  	v1 =	vadd.s32 v21, v41;
	v63 =	vld [tilespmem:s28+$0xFFFFFFE0];
	[tilespmem:v51+s17+$0x0] =	vst.idx.msk $0xffff, v50  }
0x50: {  	v62 =	vadd.s32 v17, v59;
	[tilespmem:v61+s17+$0x0] =	vst.idx.msk $0xffff, v46;
	v61 =	vld [tilespmem:s28+$0xFFFFFFA0]  }
0x51: {  	v44 =	vadd.s32 v38, v44;
	[tilespmem:v52+s17+$0x0] =	vst.idx.msk $0xffff, v45;
	v60 =	vld [tilespmem:s28+$0xF0]  }
0x52: {  	s1 =	simm.s32 $0x8;
	v5 =	vadd.s32 v25, v40;
	v3 =	vld [tilespmem:s28+$0x20];
	[tilespmem:v55+s17+$0x0] =	vst.idx.msk $0xffff, v54  }
0x53: {  	s29 =	simm.s32 $0xB;
	v58 =	vmov s1;
	v47 =	vadd.s32 v29, v43;
	[tilespmem:v57+s17+$0x0] =	vst.idx.msk $0xffff, v56;
	v46 =	vld [tilespmem:s28+$0x60]  }
0x54: {  	s31 =	simm.s32 $0x9;
	v49 =	vadd.s32 v33, v42;
	v59 =	vadd.s32 v18, v59;
	v50 =	vmov s29;
	v48 =	vld [tilespmem:s28+$0xA0];
	[tilespmem:v1+s17+$0x0] =	vst.idx.msk $0xffff, v63  }
0x55: {  	s29 =	simm.s32 $0xD;
	v45 =	vshrl.u32 v58, $0x3;
	v58 =	vmov s31;
	s31 =	simm.s32 $0xC;
	v54 =	vadd.s32 v9, v39;
	v51 =	vld [tilespmem:s28+$0xFFFFFF20];
	[tilespmem:v62+s17+$0x0] =	vst.idx.msk $0xffff, v61  }
0x56: {  	s1 =	simm.s32 $0xA;
	v52 =	vmov s31;
	v57 =	vadd.s32 v14, v53;
	v55 =	vld [tilespmem:s28+$0xFFFFFF70];
	[tilespmem:v44+s17+$0x0] =	vst.idx.msk $0xffff, v60;
	v44 =	vmov s29;
	s29 =	simm.s32 $0xE  }
0x57: {  	s30 =	simm.s32 $0xF;
	s26 =	sshll.u32 s24, $0x1;
	v53 =	vshll.u32 v45, v7;
	[tilespmem:v5+s17+$0x0] =	vst.idx.msk $0xffff, v3;
	v60 =	vmov s1;
	v56 =	vld [tilespmem:s28+$0xFFFFFFB0];
	v45 =	vmov s29;
	s29 =	simm.s32 $0x10  }
.LBB2_5:
0x58: {  	p1 =	slt.u32 s29, $0x78;
	v1 =	vshrl.u32 v58, $0x3;
	v3 =	vmov s30;
	v5 =	vld [tilespmem:s28+$0xFFFFFFF0];
	v41 =	vadd.s32 v22, v41;
	[tilespmem:v47+s17+$0x0] =	vst.idx.msk $0xffff, v46  }
0x59: {  	v46 =	vshrl.u32 v60, $0x3;
	v40 =	vadd.s32 v26, v40;
	v3 =	vshrl.u32 v3, $0x3;
	v47 =	vld [tilespmem:s28+$0x30];
	[tilespmem:v49+s17+$0x0] =	vst.idx.msk $0xffff, v48  }
0x5a: {  	v43 =	vadd.s32 v30, v43;
	v48 =	vshrl.u32 v50, $0x3;
	v3 =	vshll.u32 v3, v7;
	[tilespmem:v54+s17+$0x0] =	vst.idx.msk $0xffff, v51;
	v49 =	vld [tilespmem:s28+$0x70]  }
0x5b: {  	v42 =	vadd.s32 v34, v42;
	v50 =	vshrl.u32 v52, $0x3;
	v3 =	vbroadcast v3, $0x0;
	[tilespmem:v57+s17+$0x0] =	vst.idx.msk $0xffff, v55;
	v51 =	vld [tilespmem:s28+$0xB0]  }
0x5c: {  	v1 =	vshll.u32 v1, v7;
	v54 =	vadd.s32 v10, v39;
	v39 =	vbroadcast v53, $0x0;
	v52 =	vld [tilespmem:s28+$0xFFFFFF30];
	[tilespmem:v59+s17+$0x0] =	vst.idx.msk $0xffff, v56;
	s28 =	sadd.s32 $0x200, s28  }
0x5d: {  	v46 =	vshll.u32 v46, v7;
	v1 =	vbroadcast v1, $0x0;
	v53 =	vld [tilespmem:s28+$0xC0];
	v55 =	vadd.s32 v35, v3;
	[tilespmem:v41+s17+$0x0] =	vst.idx.msk $0xffff, v5  }
0x5e: {  	v56 =	vadd.s32 v4, v39;
	v59 =	vbroadcast v46, $0x0;
	v41 =	vshll.u32 v48, v7;
	v5 =	vld [tilespmem:s28+$0xFFFFFF00];
	[tilespmem:v40+s17+$0x0] =	vst.idx.msk $0xffff, v47  }
0x5f: {  	v47 =	vadd.s32 v11, v1;
	v41 =	vbroadcast v41, $0x0;
	v40 =	vshll.u32 v50, v7;
	v46 =	vld [tilespmem:s28+$0xFFFFFF40];
	[tilespmem:v43+s17+$0x0] =	vst.idx.msk $0xffff, v49  }
0x60: {  	v49 =	vadd.s32 v15, v59;
	v40 =	vbroadcast v40, $0x0;
	v43 =	vshrl.u32 v44, $0x3;
	v48 =	vld [tilespmem:s28+$0xFFFFFF80];
	[tilespmem:v42+s17+$0x0] =	vst.idx.msk $0xffff, v51  }
0x61: {  	v45 =	vshrl.u32 v45, $0x3;
	v50 =	vadd.s32 v19, v41;
	v42 =	vshll.u32 v43, v7;
	v44 =	vld [tilespmem:s28+$0xFFFFFFC0];
	[tilespmem:v54+s17+$0x0] =	vst.idx.msk $0xffff, v52  }
0x62: {  	v52 =	vadd.s32 v23, v40;
	v43 =	vbroadcast v42, $0x0;
	v42 =	vshll.u32 v45, v7;
	v51 =	vld [tilespmem:s28+$0x0];
	[tilespmem:v55+s17+$0x0] =	vst.idx.msk $0xffff, v53  }
0x63: {  	v45 =	vadd.s32 v36, v3;
	v42 =	vbroadcast v42, $0x0;
	[tilespmem:v56+s17+$0x0] =	vst.idx.msk $0xffff, v5;
	v5 =	vld [tilespmem:s28+$0xD0]  }
0x64: {  	[tilespmem:v47+s17+$0x0] =	vst.idx.msk $0xffff, v46;
	v46 =	vld [tilespmem:s28+$0x40];
	v47 =	vadd.s32 v27, v43  }
0x65: {  	[tilespmem:v49+s17+$0x0] =	vst.idx.msk $0xffff, v48;
	v48 =	vld [tilespmem:s28+$0x80];
	v49 =	vadd.s32 v31, v42  }
0x66: {  	v54 =	vadd.s32 v12, v1;
	v53 =	vld [tilespmem:s28+$0xFFFFFF50];
	[tilespmem:v50+s17+$0x0] =	vst.idx.msk $0xffff, v44  }
0x67: {  	v50 =	vadd.s32 v16, v59;
	v44 =	vld [tilespmem:s28+$0xFFFFFF90];
	[tilespmem:v52+s17+$0x0] =	vst.idx.msk $0xffff, v51  }
0x68: {  	v52 =	vadd.s32 v20, v41;
	v51 =	vld [tilespmem:s28+$0xFFFFFFD0];
	[tilespmem:v45+s17+$0x0] =	vst.idx.msk $0xffff, v5  }
0x69: {  	v45 =	vadd.s32 v37, v3;
	[tilespmem:v47+s17+$0x0] =	vst.idx.msk $0xffff, v46;
	v5 =	vld [tilespmem:s28+$0xE0]  }
0x6a: {  	v47 =	vadd.s32 v24, v40;
	v46 =	vld [tilespmem:s28+$0x10];
	[tilespmem:v49+s17+$0x0] =	vst.idx.msk $0xffff, v48  }
0x6b: {  	v49 =	vadd.s32 v28, v43;
	[tilespmem:v54+s17+$0x0] =	vst.idx.msk $0xffff, v53;
	v48 =	vld [tilespmem:s28+$0x50]  }
0x6c: {  	[tilespmem:v50+s17+$0x0] =	vst.idx.msk $0xffff, v44;
	v44 =	vld [tilespmem:s28+$0x90];
	v50 =	vadd.s32 v32, v42  }
0x6d: {  	v54 =	vadd.s32 v8, v39;
	v53 =	vld [tilespmem:s28+$0xFFFFFF10];
	[tilespmem:v52+s17+$0x0] =	vst.idx.msk $0xffff, v51  }
0x6e: {  	v52 =	vadd.s32 v13, v1;
	v51 =	vld [tilespmem:s28+$0xFFFFFF60];
	[tilespmem:v45+s17+$0x0] =	vst.idx.msk $0xffff, v5  }
0x6f: {  	v3 =	vadd.s32 v38, v3;
	[tilespmem:v47+s17+$0x0] =	vst.idx.msk $0xffff, v46;
	v5 =	vld [tilespmem:s28+$0xF0]  }
0x70: {  	v55 =	vadd.s32 v17, v59;
	v45 =	vld [tilespmem:s28+$0xFFFFFFA0];
	[tilespmem:v49+s17+$0x0] =	vst.idx.msk $0xffff, v48  }
0x71: {  	v61 =	vadd.s32 v21, v41;
	v56 =	vld [tilespmem:s28+$0xFFFFFFE0];
	[tilespmem:v50+s17+$0x0] =	vst.idx.msk $0xffff, v44  }
0x72: {  	v63 =	vadd.s32 v25, v40;
	[tilespmem:v54+s17+$0x0] =	vst.idx.msk $0xffff, v53;
	v62 =	vld [tilespmem:s28+$0x20]  }
.Ltmp1:
0x73: {  	s30 =	sadd.s32 $0x1, s29;
	v47 =	vadd.s32 v29, v43;
	v44 =	vmov s29;
	[tilespmem:v52+s17+$0x0] =	vst.idx.msk $0xffff, v51;
	v46 =	vld [tilespmem:s28+$0x60];
	(pc) =	sbr.rel @p1 .LBB2_5-.Ltmp1, $4  }
0x74: {  	s31 =	sadd.s32 $0x3, s29;
	v58 =	vmov s30;
	s30 =	sadd.s32 $0x2, s29;
	v49 =	vadd.s32 v33, v42;
	v53 =	vshrl.u32 v44, $0x3;
	v48 =	vld [tilespmem:s28+$0xA0];
	[tilespmem:v3+s17+$0x0] =	vst.idx.msk $0xffff, v5  }
0x75: {  	v60 =	vmov s30;
	s30 =	sadd.s32 $0x4, s29;
	v50 =	vmov s31;
	s31 =	sadd.s32 $0x5, s29;
	v54 =	vadd.s32 v9, v39;
	v51 =	vld [tilespmem:s28+$0xFFFFFF20];
	[tilespmem:v55+s17+$0x0] =	vst.idx.msk $0xffff, v45  }
0x76: {  	v57 =	vadd.s32 v14, v1;
	v44 =	vmov s31;
	v52 =	vmov s30;
	s30 =	sadd.s32 $0x6, s29;
	v55 =	vld [tilespmem:s28+$0xFFFFFF70];
	[tilespmem:v61+s17+$0x0] =	vst.idx.msk $0xffff, v56  }
0x77: {  	v59 =	vadd.s32 v18, v59;
	v53 =	vshll.u32 v53, v7;
	v45 =	vmov s30;
	s30 =	sadd.s32 $0x7, s29;
	s29 =	sadd.s32 $0x8, s29;
	v56 =	vld [tilespmem:s28+$0xFFFFFFB0];
	[tilespmem:v63+s17+$0x0] =	vst.idx.msk $0xffff, v62  }
0x78: {  	_ =	sdelay $0x2  }
0x79: {  	v1 =	vshrl.u32 v58, $0x3  }
0x7a: {  	v3 =	vmov s30;
	v5 =	vld [tilespmem:s28+$0xFFFFFFF0];
	v41 =	vadd.s32 v22, v41;
	[tilespmem:v47+s17+$0x0] =	vst.idx.msk $0xffff, v46;
	v46 =	vshrl.u32 v60, $0x3  }
0x7b: {  	v47 =	vld [tilespmem:s28+$0x30];
	v40 =	vadd.s32 v26, v40;
	v63 =	vshrl.u32 v50, $0x3;
	v43 =	vadd.s32 v30, v43;
	[tilespmem:v49+s17+$0x0] =	vst.idx.msk $0xffff, v48  }
0x7c: {  	v60 =	vshrl.u32 v52, $0x3;
	v3 =	vshrl.u32 v3, $0x3;
	v58 =	vld [tilespmem:s28+$0x70];
	v1 =	vshll.u32 v1, v7;
	[tilespmem:v54+s17+$0x0] =	vst.idx.msk $0xffff, v51  }
0x7d: {  	v42 =	vadd.s32 v34, v42;
	v3 =	vshll.u32 v3, v7;
	v61 =	vld [tilespmem:s28+$0xB0];
	v1 =	vbroadcast v1, $0x0;
	[tilespmem:v57+s17+$0x0] =	vst.idx.msk $0xffff, v55  }
0x7e: {  	v39 =	vadd.s32 v10, v39;
	v46 =	vshll.u32 v46, v7;
	v3 =	vbroadcast v3, $0x0;
	v62 =	vld [tilespmem:s28+$0xFFFFFF30];
	s28 =	sadd.s32 $0x200, s28;
	[tilespmem:v59+s17+$0x0] =	vst.idx.msk $0xffff, v56  }
0x7f: {  	v52 =	vbroadcast v53, $0x0;
	v48 =	vshll.u32 v63, v7;
	v63 =	vld [tilespmem:s28+$0xFFFFFF40];
	v56 =	vadd.s32 v11, v1;
	[tilespmem:v41+s17+$0x0] =	vst.idx.msk $0xffff, v5  }
0x80: {  	v44 =	vshrl.u32 v44, $0x3;
	v46 =	vbroadcast v46, $0x0;
	v54 =	vld [tilespmem:s28+$0xC0];
	v55 =	vadd.s32 v35, v3;
	[tilespmem:v40+s17+$0x0] =	vst.idx.msk $0xffff, v47  }
0x81: {  	v50 =	vshll.u32 v60, v7;
	v48 =	vbroadcast v48, $0x0;
	v5 =	vld [tilespmem:s28+$0xFFFFFF00];
	v41 =	vadd.s32 v4, v52;
	[tilespmem:v43+s17+$0x0] =	vst.idx.msk $0xffff, v58  }
0x82: {  	v44 =	vshll.u32 v44, v7;
	v50 =	vbroadcast v50, $0x0;
	v57 =	vld [tilespmem:s28+$0xFFFFFF80];
	v58 =	vadd.s32 v15, v46;
	[tilespmem:v42+s17+$0x0] =	vst.idx.msk $0xffff, v61  }
0x83: {  	v44 =	vbroadcast v44, $0x0;
	v59 =	vld [tilespmem:s28+$0xFFFFFFC0];
	v60 =	vadd.s32 v19, v48;
	[tilespmem:v39+s17+$0x0] =	vst.idx.msk $0xffff, v62  }
0x84: {  	v45 =	vshrl.u32 v45, $0x3;
	v61 =	vld [tilespmem:s28+$0x0];
	v62 =	vadd.s32 v23, v50;
	[tilespmem:v56+s17+$0x0] =	vst.idx.msk $0xffff, v63  }
0x85: {  	v45 =	vshll.u32 v45, v7;
	v40 =	vld [tilespmem:s28+$0x40];
	v63 =	vadd.s32 v27, v44;
	[tilespmem:v55+s17+$0x0] =	vst.idx.msk $0xffff, v54  }
0x86: {  	[tilespmem:v41+s17+$0x0] =	vst.idx.msk $0xffff, v5;
	v5 =	vbroadcast v45, $0x0;
	v45 =	vadd.s32 v36, v3;
	v41 =	vld [tilespmem:s28+$0xD0]  }
0x87: {  	[tilespmem:v58+s17+$0x0] =	vst.idx.msk $0xffff, v57;
	v57 =	vld [tilespmem:s28+$0xFFFFFF50];
	v58 =	vadd.s32 v12, v1  }
0x88: {  	v43 =	vld [tilespmem:s28+$0x80];
	[tilespmem:v60+s17+$0x0] =	vst.idx.msk $0xffff, v59;
	v49 =	vadd.s32 v31, v5  }
0x89: {  	v60 =	vadd.s32 v16, v46;
	v59 =	vld [tilespmem:s28+$0xFFFFFF90];
	[tilespmem:v62+s17+$0x0] =	vst.idx.msk $0xffff, v61  }
0x8a: {  	v61 =	vld [tilespmem:s28+$0xFFFFFFD0];
	v62 =	vadd.s32 v20, v48;
	[tilespmem:v63+s17+$0x0] =	vst.idx.msk $0xffff, v40  }
0x8b: {  	v63 =	vadd.s32 v24, v50;
	[tilespmem:v45+s17+$0x0] =	vst.idx.msk $0xffff, v41;
	v45 =	vld [tilespmem:s28+$0x10]  }
0x8c: {  	v41 =	vadd.s32 v37, v3;
	[tilespmem:v58+s17+$0x0] =	vst.idx.msk $0xffff, v57;
	v40 =	vld [tilespmem:s28+$0xE0]  }
0x8d: {  	[tilespmem:v49+s17+$0x0] =	vst.idx.msk $0xffff, v43;
	v43 =	vld [tilespmem:s28+$0x50];
	v49 =	vadd.s32 v28, v44  }
0x8e: {  	[tilespmem:v60+s17+$0x0] =	vst.idx.msk $0xffff, v59;
	v59 =	vld [tilespmem:s28+$0xFFFFFF10];
	v60 =	vadd.s32 v8, v52  }
0x8f: {  	v58 =	vadd.s32 v32, v5;
	v57 =	vld [tilespmem:s28+$0x90];
	[tilespmem:v62+s17+$0x0] =	vst.idx.msk $0xffff, v61  }
0x90: {  	v61 =	vld [tilespmem:s28+$0xFFFFFF60];
	v62 =	vadd.s32 v13, v1;
	[tilespmem:v63+s17+$0x0] =	vst.idx.msk $0xffff, v45  }
0x91: {  	v63 =	vadd.s32 v17, v46;
	[tilespmem:v41+s17+$0x0] =	vst.idx.msk $0xffff, v40;
	v41 =	vld [tilespmem:s28+$0xFFFFFFA0]  }
0x92: {  	v47 =	vadd.s32 v21, v48;
	[tilespmem:v49+s17+$0x0] =	vst.idx.msk $0xffff, v43;
	v43 =	vld [tilespmem:s28+$0xFFFFFFE0]  }
0x93: {  	v3 =	vadd.s32 v38, v3;
	[tilespmem:v60+s17+$0x0] =	vst.idx.msk $0xffff, v59;
	v40 =	vld [tilespmem:s28+$0xF0]  }
0x94: {  	[tilespmem:v58+s17+$0x0] =	vst.idx.msk $0xffff, v57;
	v57 =	vld [tilespmem:s28+$0x20];
	v58 =	vadd.s32 v25, v50  }
0x95: {  	v60 =	vadd.s32 v29, v44;
	[tilespmem:v62+s17+$0x0] =	vst.idx.msk $0xffff, v61;
	v59 =	vld [tilespmem:s28+$0x60]  }
0x96: {  	v61 =	vadd.s32 v33, v5;
	v53 =	vld [tilespmem:s28+$0xA0];
	[tilespmem:v63+s17+$0x0] =	vst.idx.msk $0xffff, v41  }
0x97: {  	v1 =	vadd.s32 v14, v1;
	v63 =	vld [tilespmem:s28+$0xFFFFFF70];
	[tilespmem:v47+s17+$0x0] =	vst.idx.msk $0xffff, v43  }
0x98: {  	v62 =	vadd.s32 v9, v52;
	[tilespmem:v3+s17+$0x0] =	vst.idx.msk $0xffff, v40;
	v3 =	vld [tilespmem:s28+$0xFFFFFF20]  }
0x99: {  	v56 =	vadd.s32 v18, v46;
	v55 =	vld [tilespmem:s28+$0xFFFFFFB0];
	[tilespmem:v58+s17+$0x0] =	vst.idx.msk $0xffff, v57  }
0x9a: {  	v57 =	vld [tilespmem:s28+$0xFFFFFFF0];
	v58 =	vadd.s32 v22, v48;
	[tilespmem:v60+s17+$0x0] =	vst.idx.msk $0xffff, v59  }
0x9b: {  	v60 =	vadd.s32 v26, v50;
	v59 =	vld [tilespmem:s28+$0x30];
	[tilespmem:v61+s17+$0x0] =	vst.idx.msk $0xffff, v53  }
0x9c: {  	v5 =	vadd.s32 v34, v5;
	[tilespmem:v1+s17+$0x0] =	vst.idx.msk $0xffff, v63;
	v1 =	vld [tilespmem:s28+$0xB0]  }
0x9d: {  	v61 =	vadd.s32 v30, v44;
	[tilespmem:v62+s17+$0x0] =	vst.idx.msk $0xffff, v3;
	v3 =	vld [tilespmem:s28+$0x70]  }
0x9e: {  	v63 =	vadd.s32 v10, v52;
	[tilespmem:v56+s17+$0x0] =	vst.idx.msk $0xffff, v55;
	v62 =	vld [tilespmem:s28+$0xFFFFFF30]  }
0x9f: {  	s26 =	sadd.s32 s5, s26;
	[tilespmem:v58+s17+$0x0] =	vst.idx.msk $0xffff, v57  }
0xa0: {  	[tilespmem:v60+s17+$0x0] =	vst.idx.msk $0xffff, v59;
	s28 =	sshll.u32 s26, $0x7  }
0xa1: {  	s26 =	sshll.u32 s26, $0xA;
	s28 =	sand.u32 $0xF00, s28;
	[tilespmem:v5+s17+$0x0] =	vst.idx.msk $0xffff, v1  }
0xa2: {  	s26 =	sand.u32 $0xFFF8000, s26;
	s28 =	sadd.s32 s2, s28;
	[tilespmem:v61+s17+$0x0] =	vst.idx.msk $0xffff, v3  }
0xa3: {  	s1 =	simm.s32 $0x8B00;
	s28 =	sadd.s32 s26, s28;
	[tilespmem:v63+s17+$0x0] =	vst.idx.msk $0xffff, v62  }
0xa4: {  	[hbm4b:s28+s3] =	stream.linear.scatter [tilespmem:s1], [sflag:$0x3], $0x80, $0x38;
	[tilespmem:$0xCF00] =	vst v63  }
0xa5: {  	s29 =	sadd.s32 $0x10, s28;
	s1 =	simm.s32 $0x8B88  }
0xa6: {  	[hbm4b:s29+s3] =	stream.linear.scatter [tilespmem:s1], [sflag:$0x3], $0x80, $0x38;
	[tilespmem:$0xCF00] =	vst v63  }
0xa7: {  	s1 =	simm.s32 $0x8C10;
	s29 =	sadd.s32 $0x20, s28  }
0xa8: {  	[hbm4b:s29+s3] =	stream.linear.scatter [tilespmem:s1], [sflag:$0x3], $0x80, $0x38;
	[tilespmem:$0xCF00] =	vst v63  }
0xa9: {  	s1 =	simm.s32 $0x8C98;
	s29 =	sadd.s32 $0x30, s28  }
0xaa: {  	[hbm4b:s29+s3] =	stream.linear.scatter [tilespmem:s1], [sflag:$0x3], $0x80, $0x38;
	[tilespmem:$0xCF00] =	vst v63  }
0xab: {  	s1 =	simm.s32 $0x8D20;
	s29 =	sadd.s32 $0x40, s28  }
0xac: {  	[hbm4b:s29+s3] =	stream.linear.scatter [tilespmem:s1], [sflag:$0x3], $0x80, $0x38;
	[tilespmem:$0xCF00] =	vst v63  }
0xad: {  	s30 =	simm.s32 $0x8EB8;
	s1 =	simm.s32 $0x8DA8;
	s29 =	sadd.s32 $0x50, s28  }
0xae: {  	[hbm4b:s29+s3] =	stream.linear.scatter [tilespmem:s1], [sflag:$0x3], $0x80, $0x38;
	[tilespmem:$0xCF00] =	vst v63  }
0xaf: {  	s26 =	simm.s32 $0x440;
	s1 =	simm.s32 $0x8E30;
	s29 =	sadd.s32 $0x60, s28  }
0xb0: {  	[hbm4b:s29+s3] =	stream.linear.scatter [tilespmem:s1], [sflag:$0x3], $0x80, $0x38;
	[tilespmem:$0xCF00] =	vst v63  }
0xb1: {  	s31 =	sadd.s32 $0x70, s28;
	s28 =	sadd.s32 $0x1000, s28;
	s29 =	simm.s32 $0x2200  }
.LBB2_7:
0xb2: {  	[hbm4b:s31+s3] =	stream.linear.scatter [tilespmem:s30], [sflag:$0x3], $0x80, $0x38;
	[tilespmem:$0xCF00] =	vst v63  }
0xb3: {  	s30 =	smov.u32 s26;
	s26 =	smov.u32 s29  }
0xb4: {  	s1 =	sadd.s32 $0x1100, s29;
	s26 =	sshra.s32 s26, $0x2;
	s31 =	sadd.s32 $0x8B00, s30  }
0xb5: {  	[hbm4b:s28+s3] =	stream.linear.scatter [tilespmem:s31], [sflag:$0x3], $0x80, $0x38;
	[tilespmem:$0xCF00] =	vst v63  }
0xb6: {  	p1 =	sne.s32 s29, $0x7700;
	s29 =	sadd.s32 $0x8B88, s30;
	s31 =	sadd.s32 $0x10, s28  }
0xb7: {  	[hbm4b:s31+s3] =	stream.linear.scatter [tilespmem:s29], [sflag:$0x3], $0x80, $0x38;
	[tilespmem:$0xCF00] =	vst v63  }
0xb8: {  	s29 =	sadd.s32 $0x8C10, s30;
	s31 =	sadd.s32 $0x20, s28  }
0xb9: {  	[hbm4b:s31+s3] =	stream.linear.scatter [tilespmem:s29], [sflag:$0x3], $0x80, $0x38;
	[tilespmem:$0xCF00] =	vst v63  }
0xba: {  	s29 =	sadd.s32 $0x8C98, s30;
	s31 =	sadd.s32 $0x30, s28  }
0xbb: {  	[hbm4b:s31+s3] =	stream.linear.scatter [tilespmem:s29], [sflag:$0x3], $0x80, $0x38;
	[tilespmem:$0xCF00] =	vst v63  }
0xbc: {  	s29 =	sadd.s32 $0x8D20, s30;
	s31 =	sadd.s32 $0x40, s28  }
0xbd: {  	[hbm4b:s31+s3] =	stream.linear.scatter [tilespmem:s29], [sflag:$0x3], $0x80, $0x38;
	[tilespmem:$0xCF00] =	vst v63  }
.Ltmp2:
0xbe: {  	s29 =	sadd.s32 $0x8DA8, s30;
	s31 =	sadd.s32 $0x50, s28;
	(pc) =	sbr.rel @p1 .LBB2_7-.Ltmp2, $4  }
0xbf: {  	[hbm4b:s31+s3] =	stream.linear.scatter [tilespmem:s29], [sflag:$0x3], $0x80, $0x38;
	[tilespmem:$0xCF00] =	vst v63  }
0xc0: {  	s29 =	sadd.s32 $0x8E30, s30;
	s31 =	sadd.s32 $0x60, s28;
	s30 =	sadd.s32 $0x8EB8, s30  }
0xc1: {  	[hbm4b:s31+s3] =	stream.linear.scatter [tilespmem:s29], [sflag:$0x3], $0x80, $0x38;
	[tilespmem:$0xCF00] =	vst v63  }
0xc2: {  	s31 =	sadd.s32 $0x70, s28;
	s28 =	sadd.s32 $0x1000, s28;
	s29 =	smov.u32 s1  }
0xc3: {  	[hbm4b:s31+s3] =	stream.linear.scatter [tilespmem:s30], [sflag:$0x3], $0x80, $0x38;
	[tilespmem:$0xCF00] =	vst v63  }
0xc4: {  	s1 =	sadd.s32 $0x8B00, s26  }
0xc5: {  	[hbm4b:s28+s3] =	stream.linear.scatter [tilespmem:s1], [sflag:$0x3], $0x80, $0x38;
	[tilespmem:$0xCF00] =	vst v63  }
0xc6: {  	s31 =	sadd.s32 $0x8B88, s26;
	s29 =	sadd.s32 $0x10, s28  }
0xc7: {  	[hbm4b:s29+s3] =	stream.linear.scatter [tilespmem:s31], [sflag:$0x3], $0x80, $0x38;
	[tilespmem:$0xCF00] =	vst v63  }
0xc8: {  	s30 =	sadd.s32 $0x8C10, s26;
	s31 =	sadd.s32 $0x20, s28  }
0xc9: {  	[hbm4b:s31+s3] =	stream.linear.scatter [tilespmem:s30], [sflag:$0x3], $0x80, $0x38;
	[tilespmem:$0xCF00] =	vst v63  }
0xca: {  	s30 =	sadd.s32 $0x8C98, s26;
	s31 =	sadd.s32 $0x30, s28  }
0xcb: {  	[hbm4b:s31+s3] =	stream.linear.scatter [tilespmem:s30], [sflag:$0x3], $0x80, $0x38;
	[tilespmem:$0xCF00] =	vst v63  }
0xcc: {  	s30 =	sadd.s32 $0x8D20, s26;
	s31 =	sadd.s32 $0x40, s28  }
0xcd: {  	[hbm4b:s31+s3] =	stream.linear.scatter [tilespmem:s30], [sflag:$0x3], $0x80, $0x38;
	[tilespmem:$0xCF00] =	vst v63  }
0xce: {  	p1 =	sne.s32 s24, $0x18;
	s30 =	sadd.s32 $0x8DA8, s26;
	s31 =	sadd.s32 $0x50, s28  }
0xcf: {  	[hbm4b:s31+s3] =	stream.linear.scatter [tilespmem:s30], [sflag:$0x3], $0x80, $0x38;
	[tilespmem:$0xCF00] =	vst v63  }
.Ltmp3:
0xd0: {  	_ = 	snop;
	(pc) =	sbr.rel @p1 .LBB2_10-.Ltmp3, $4  }
0xd1: {  	s30 =	sadd.s32 $0x8E30, s26;
	s31 =	sadd.s32 $0x60, s28  }
0xd2: {  	[hbm4b:s31+s3] =	stream.linear.scatter [tilespmem:s30], [sflag:$0x3], $0x80, $0x38;
	[tilespmem:$0xCF00] =	vst v63  }
0xd3: {  	s30 =	sadd.s32 $0x8EB8, s26;
	s31 =	sadd.s32 $0x70, s28  }
0xd4: {  	[hbm4b:s31+s3] =	stream.linear.scatter [tilespmem:s30], [sflag:$0x3], $0x80, $0x38;
	[tilespmem:$0xCF00] =	vst v63  }
.Ltmp4:
0xd5: {  	(pc) =	sbr.rel .LBB2_11-.Ltmp4, $4  }
0xd6: {  	_ = 	snop  }
0xd7: {  	_ =	swait.ge [sflag:s18], $0x2000  }
0xd8: {  	[sflag:s18] =	ssyncset.done $0x0  }
0xd9: {  	[sflag:s18] =	ssyncadd.s32 $0xFFFFE000  }
.LBB2_10:
0xda: {  	s1 =	sshll.u32 s24, $0x9  }
0xdb: {  	s1 =	sand.u32 $0x3FFFFE00, s1  }
0xdc: {  	s26 =	sadd.s32 $0x1B00, s1  }
0xdd: {  	[tilespmem:s11], [sflag:$0x1] =	stream.indirect.gather [hbm4b:s4+s10], $0x20, s26, s10, $0xb8;
	[tilespmem:$0xCF00] =	vst v63  }
.Ltmp5:
0xde: {  	s1 =	sadd.s32 $0x1B80, s1;
	(pc) =	sbr.rel @p0 .LBB2_12-.Ltmp5, $4  }
0xdf: {  	[tilespmem:s13], [sflag:$0x1] =	stream.indirect.gather [hbm4b:s4+s10], $0x20, s1, s10, $0xb8;
	[tilespmem:$0xCF00] =	vst v63  }
0xe0: {  	_ =	swait.ge [sflag:s18], $0x2000  }
0xe1: {  	[sflag:s18] =	ssyncset.done $0x0  }
0xe2: {  	[sflag:s18] =	ssyncadd.s32 $0xFFFFE000  }
.LBB2_11:
0xe3: {  	_ =	swait.ge [sflag:s19], $0x2000  }
0xe4: {  	[sflag:s19] =	ssyncset.done $0x0  }
0xe5: {  	[sflag:s19] =	ssyncadd.s32 $0xFFFFE000  }
.LBB2_12:
0xe6: {  	s1 =	simm.s32 $0x0;
	s30 =	simm.s32 $0x1  }
0xe7: {  	s26 =	simm.s32 $0x2;
	s31 =	simm.s32 $0x3;
	s28 =	simm.s32 $0x7;
	v1 =	vmov s1;
	v3 =	vmov s30  }
0xe8: {  	v5 =	vmov s26;
	s30 =	simm.s32 $0x4;
	v39 =	vmov s31;
	s31 =	simm.s32 $0x5;
	v41 =	vmov s28  }
0xe9: {  	v1 =	vshrl.u32 v1, $0x3;
	v40 =	vmov s30;
	v42 =	vmov s31  }
0xea: {  	v41 =	vshrl.u32 v41, $0x3;
	v3 =	vshrl.u32 v3, $0x3;
	v5 =	vshrl.u32 v5, $0x3  }
0xeb: {  	s30 =	simm.s32 $0x6;
	v44 =	vshrl.u32 v39, $0x3;
	v1 =	vshll.u32 v1, v7;
	v41 =	vshll.u32 v41, v7  }
0xec: {  	v43 =	vmov s30;
	v40 =	vshrl.u32 v40, $0x3;
	v45 =	vbroadcast v41, $0x0  }
0xed: {  	s26 =	simm.s32 $0x6C00;
	v62 =	vshll.u32 v44, v7;
	v39 =	vbroadcast v1, $0x0;
	v1 =	vshll.u32 v3, v7  }
0xee: {  	v3 =	vshll.u32 v5, v7;
	v5 =	vld [tilespmem:s26+$0xC0];
	v41 =	vbroadcast v62, $0x0;
	v46 =	vadd.s32 v35, v45  }
0xef: {  	v47 =	vld [tilespmem:s26+$0xFFFFFF00];
	v42 =	vshrl.u32 v42, $0x3;
	v1 =	vbroadcast v1, $0x0;
	v48 =	vadd.s32 v4, v39  }
0xf0: {  	v52 =	vld [tilespmem:s26+$0xFFFFFFC0];
	v40 =	vshll.u32 v40, v7;
	v3 =	vbroadcast v3, $0x0;
	v53 =	vadd.s32 v19, v41  }
0xf1: {  	v63 =	vld [tilespmem:s26+$0xFFFFFF40];
	v42 =	vshll.u32 v42, v7;
	v40 =	vbroadcast v40, $0x0;
	v49 =	vadd.s32 v11, v1  }
0xf2: {  	v50 =	vld [tilespmem:s26+$0xFFFFFF80];
	v54 =	vshrl.u32 v43, $0x3;
	v43 =	vbroadcast v42, $0x0;
	v51 =	vadd.s32 v15, v3  }
0xf3: {  	v55 =	vld [tilespmem:s26+$0x0];
	v58 =	vshll.u32 v54, v7;
	v56 =	vadd.s32 v23, v40;
	[tilespmem:v46+s20+$0x0] =	vst.idx.msk $0xffff, v5  }
0xf4: {  	v60 =	vld [tilespmem:s26+$0x40];
	v42 =	vbroadcast v58, $0x0;
	v61 =	vadd.s32 v27, v43;
	[tilespmem:v48+s20+$0x0] =	vst.idx.msk $0xffff, v47  }
0xf5: {  	v59 =	vadd.s32 v36, v45;
	[tilespmem:v53+s20+$0x0] =	vst.idx.msk $0xffff, v52;
	v5 =	vld [tilespmem:s26+$0xD0]  }
0xf6: {  	v48 =	vld [tilespmem:s26+$0x80];
	[tilespmem:v49+s20+$0x0] =	vst.idx.msk $0xffff, v63;
	v49 =	vadd.s32 v31, v42  }
0xf7: {  	[tilespmem:v51+s20+$0x0] =	vst.idx.msk $0xffff, v50;
	v63 =	vadd.s32 v12, v1;
	v62 =	vld [tilespmem:s26+$0xFFFFFF50]  }
0xf8: {  	v58 =	vadd.s32 v20, v41;
	[tilespmem:v56+s20+$0x0] =	vst.idx.msk $0xffff, v55;
	v57 =	vld [tilespmem:s26+$0xFFFFFFD0]  }
0xf9: {  	v53 =	vadd.s32 v16, v3;
	[tilespmem:v61+s20+$0x0] =	vst.idx.msk $0xffff, v60;
	v52 =	vld [tilespmem:s26+$0xFFFFFF90]  }
0xfa: {  	v61 =	vadd.s32 v24, v40;
	v60 =	vld [tilespmem:s26+$0x10];
	[tilespmem:v59+s20+$0x0] =	vst.idx.msk $0xffff, v5  }
0xfb: {  	v59 =	vadd.s32 v37, v45;
	[tilespmem:v49+s20+$0x0] =	vst.idx.msk $0xffff, v48;
	v5 =	vld [tilespmem:s26+$0xE0]  }
0xfc: {  	[tilespmem:v63+s20+$0x0] =	vst.idx.msk $0xffff, v62;
	v62 =	vld [tilespmem:s26+$0x50];
	v63 =	vadd.s32 v28, v43  }
0xfd: {  	v51 =	vadd.s32 v32, v42;
	[tilespmem:v58+s20+$0x0] =	vst.idx.msk $0xffff, v57;
	v50 =	vld [tilespmem:s26+$0x90]  }
0xfe: {  	[tilespmem:v53+s20+$0x0] =	vst.idx.msk $0xffff, v52;
	v52 =	vld [tilespmem:s26+$0xFFFFFF10];
	v53 =	vadd.s32 v8, v39  }
0xff: {  	[tilespmem:v61+s20+$0x0] =	vst.idx.msk $0xffff, v60;
	v58 =	vld [tilespmem:s26+$0xFFFFFFE0];
	v61 =	vadd.s32 v21, v41  }
0x100: {  	v55 =	vadd.s32 v13, v1;
	v54 =	vld [tilespmem:s26+$0xFFFFFF60];
	[tilespmem:v59+s20+$0x0] =	vst.idx.msk $0xffff, v5  }
0x101: {  	v44 =	vadd.s32 v38, v45;
	v56 =	vadd.s32 v17, v3;
	v45 =	vld [tilespmem:s26+$0xFFFFFFA0];
	[tilespmem:v63+s20+$0x0] =	vst.idx.msk $0xffff, v62  }
0x102: {  	[tilespmem:v51+s20+$0x0] =	vst.idx.msk $0xffff, v50;
	v62 =	vld [tilespmem:s26+$0x20];
	v63 =	vadd.s32 v25, v40  }
0x103: {  	s31 =	simm.s32 $0x8;
	[tilespmem:v53+s20+$0x0] =	vst.idx.msk $0xffff, v52;
	v5 =	vld [tilespmem:s26+$0xF0]  }
0x104: {  	v47 =	vadd.s32 v29, v43;
	v60 =	vmov s31;
	[tilespmem:v61+s20+$0x0] =	vst.idx.msk $0xffff, v58;
	v46 =	vld [tilespmem:s26+$0x60]  }
0x105: {  	s30 =	simm.s32 $0x9;
	v49 =	vadd.s32 v33, v42;
	v57 =	vadd.s32 v14, v1;
	s31 =	simm.s32 $0xA;
	v51 =	vshrl.u32 v60, $0x3;
	[tilespmem:v55+s20+$0x0] =	vst.idx.msk $0xffff, v54;
	v48 =	vld [tilespmem:s26+$0xA0]  }
0x106: {  	s28 =	simm.s32 $0xB;
	v59 =	vmov s30;
	v60 =	vmov s31;
	s30 =	simm.s32 $0xC;
	v52 =	vld [tilespmem:s26+$0xFFFFFF20];
	v54 =	vadd.s32 v9, v39;
	[tilespmem:v56+s20+$0x0] =	vst.idx.msk $0xffff, v45  }
0x107: {  	v50 =	vmov s28;
	s28 =	simm.s32 $0xD;
	s31 =	simm.s32 $0xE;
	v58 =	vadd.s32 v18, v3;
	v53 =	vmov s30;
	v55 =	vld [tilespmem:s26+$0xFFFFFF70];
	[tilespmem:v63+s20+$0x0] =	vst.idx.msk $0xffff, v62  }
0x108: {  	s29 =	simm.s32 $0xF;
	v51 =	vshll.u32 v51, v7;
	v45 =	vmov s31;
	v56 =	vld [tilespmem:s26+$0xFFFFFFB0];
	[tilespmem:v44+s20+$0x0] =	vst.idx.msk $0xffff, v5;
	v44 =	vmov s28;
	s28 =	simm.s32 $0x10  }
.LBB2_13:
0x109: {  	p0 =	slt.u32 s28, $0x78;
	v1 =	vshrl.u32 v59, $0x3;
	v3 =	vmov s29;
	v5 =	vld [tilespmem:s26+$0xFFFFFFF0];
	v41 =	vadd.s32 v22, v41;
	[tilespmem:v47+s20+$0x0] =	vst.idx.msk $0xffff, v46  }
0x10a: {  	v46 =	vshrl.u32 v60, $0x3;
	v40 =	vadd.s32 v26, v40;
	v3 =	vshrl.u32 v3, $0x3;
	v47 =	vld [tilespmem:s26+$0x30];
	[tilespmem:v49+s20+$0x0] =	vst.idx.msk $0xffff, v48  }
0x10b: {  	v43 =	vadd.s32 v30, v43;
	v48 =	vshrl.u32 v50, $0x3;
	v3 =	vshll.u32 v3, v7;
	[tilespmem:v54+s20+$0x0] =	vst.idx.msk $0xffff, v52;
	v49 =	vld [tilespmem:s26+$0x70]  }
0x10c: {  	v42 =	vadd.s32 v34, v42;
	v50 =	vshrl.u32 v53, $0x3;
	v3 =	vbroadcast v3, $0x0;
	[tilespmem:v57+s20+$0x0] =	vst.idx.msk $0xffff, v55;
	v52 =	vld [tilespmem:s26+$0xB0]  }
0x10d: {  	v1 =	vshll.u32 v1, v7;
	v54 =	vadd.s32 v10, v39;
	v39 =	vbroadcast v51, $0x0;
	v53 =	vld [tilespmem:s26+$0xFFFFFF30];
	[tilespmem:v58+s20+$0x0] =	vst.idx.msk $0xffff, v56;
	s26 =	sadd.s32 $0x200, s26  }
0x10e: {  	v46 =	vshll.u32 v46, v7;
	v1 =	vbroadcast v1, $0x0;
	v51 =	vld [tilespmem:s26+$0xC0];
	v55 =	vadd.s32 v35, v3;
	[tilespmem:v41+s20+$0x0] =	vst.idx.msk $0xffff, v5  }
0x10f: {  	v56 =	vadd.s32 v4, v39;
	v58 =	vbroadcast v46, $0x0;
	v41 =	vshll.u32 v48, v7;
	v5 =	vld [tilespmem:s26+$0xFFFFFF00];
	[tilespmem:v40+s20+$0x0] =	vst.idx.msk $0xffff, v47  }
0x110: {  	v47 =	vadd.s32 v11, v1;
	v41 =	vbroadcast v41, $0x0;
	v40 =	vshll.u32 v50, v7;
	v46 =	vld [tilespmem:s26+$0xFFFFFF40];
	[tilespmem:v43+s20+$0x0] =	vst.idx.msk $0xffff, v49  }
0x111: {  	v49 =	vadd.s32 v15, v58;
	v40 =	vbroadcast v40, $0x0;
	v43 =	vshrl.u32 v44, $0x3;
	v48 =	vld [tilespmem:s26+$0xFFFFFF80];
	[tilespmem:v42+s20+$0x0] =	vst.idx.msk $0xffff, v52  }
0x112: {  	v45 =	vshrl.u32 v45, $0x3;
	v50 =	vadd.s32 v19, v41;
	v42 =	vshll.u32 v43, v7;
	v44 =	vld [tilespmem:s26+$0xFFFFFFC0];
	[tilespmem:v54+s20+$0x0] =	vst.idx.msk $0xffff, v53  }
0x113: {  	v53 =	vadd.s32 v23, v40;
	v43 =	vbroadcast v42, $0x0;
	v42 =	vshll.u32 v45, v7;
	v52 =	vld [tilespmem:s26+$0x0];
	[tilespmem:v55+s20+$0x0] =	vst.idx.msk $0xffff, v51  }
0x114: {  	v45 =	vadd.s32 v36, v3;
	v42 =	vbroadcast v42, $0x0;
	[tilespmem:v56+s20+$0x0] =	vst.idx.msk $0xffff, v5;
	v5 =	vld [tilespmem:s26+$0xD0]  }
0x115: {  	[tilespmem:v47+s20+$0x0] =	vst.idx.msk $0xffff, v46;
	v46 =	vld [tilespmem:s26+$0x40];
	v47 =	vadd.s32 v27, v43  }
0x116: {  	[tilespmem:v49+s20+$0x0] =	vst.idx.msk $0xffff, v48;
	v48 =	vld [tilespmem:s26+$0x80];
	v49 =	vadd.s32 v31, v42  }
0x117: {  	v54 =	vadd.s32 v12, v1;
	v51 =	vld [tilespmem:s26+$0xFFFFFF50];
	[tilespmem:v50+s20+$0x0] =	vst.idx.msk $0xffff, v44  }
0x118: {  	v50 =	vadd.s32 v16, v58;
	v44 =	vld [tilespmem:s26+$0xFFFFFF90];
	[tilespmem:v53+s20+$0x0] =	vst.idx.msk $0xffff, v52  }
0x119: {  	v53 =	vadd.s32 v20, v41;
	v52 =	vld [tilespmem:s26+$0xFFFFFFD0];
	[tilespmem:v45+s20+$0x0] =	vst.idx.msk $0xffff, v5  }
0x11a: {  	v45 =	vadd.s32 v37, v3;
	[tilespmem:v47+s20+$0x0] =	vst.idx.msk $0xffff, v46;
	v5 =	vld [tilespmem:s26+$0xE0]  }
0x11b: {  	v47 =	vadd.s32 v24, v40;
	v46 =	vld [tilespmem:s26+$0x10];
	[tilespmem:v49+s20+$0x0] =	vst.idx.msk $0xffff, v48  }
0x11c: {  	v49 =	vadd.s32 v28, v43;
	[tilespmem:v54+s20+$0x0] =	vst.idx.msk $0xffff, v51;
	v48 =	vld [tilespmem:s26+$0x50]  }
0x11d: {  	[tilespmem:v50+s20+$0x0] =	vst.idx.msk $0xffff, v44;
	v44 =	vld [tilespmem:s26+$0x90];
	v50 =	vadd.s32 v32, v42  }
0x11e: {  	v54 =	vadd.s32 v8, v39;
	v51 =	vld [tilespmem:s26+$0xFFFFFF10];
	[tilespmem:v53+s20+$0x0] =	vst.idx.msk $0xffff, v52  }
0x11f: {  	v53 =	vadd.s32 v13, v1;
	v52 =	vld [tilespmem:s26+$0xFFFFFF60];
	[tilespmem:v45+s20+$0x0] =	vst.idx.msk $0xffff, v5  }
0x120: {  	v3 =	vadd.s32 v38, v3;
	[tilespmem:v47+s20+$0x0] =	vst.idx.msk $0xffff, v46;
	v5 =	vld [tilespmem:s26+$0xF0]  }
0x121: {  	v55 =	vadd.s32 v17, v58;
	v45 =	vld [tilespmem:s26+$0xFFFFFFA0];
	[tilespmem:v49+s20+$0x0] =	vst.idx.msk $0xffff, v48  }
0x122: {  	v61 =	vadd.s32 v21, v41;
	v56 =	vld [tilespmem:s26+$0xFFFFFFE0];
	[tilespmem:v50+s20+$0x0] =	vst.idx.msk $0xffff, v44  }
0x123: {  	v63 =	vadd.s32 v25, v40;
	[tilespmem:v54+s20+$0x0] =	vst.idx.msk $0xffff, v51;
	v62 =	vld [tilespmem:s26+$0x20]  }
.Ltmp6:
0x124: {  	s1 =	sadd.s32 $0x1, s28;
	v47 =	vadd.s32 v29, v43;
	v44 =	vmov s28;
	[tilespmem:v53+s20+$0x0] =	vst.idx.msk $0xffff, v52;
	v46 =	vld [tilespmem:s26+$0x60];
	(pc) =	sbr.rel @p0 .LBB2_13-.Ltmp6, $4  }
0x125: {  	s29 =	sadd.s32 $0x3, s28;
	v59 =	vmov s1;
	s1 =	sadd.s32 $0x2, s28;
	v49 =	vadd.s32 v33, v42;
	v51 =	vshrl.u32 v44, $0x3;
	v48 =	vld [tilespmem:s26+$0xA0];
	[tilespmem:v3+s20+$0x0] =	vst.idx.msk $0xffff, v5  }
0x126: {  	v60 =	vmov s1;
	s1 =	sadd.s32 $0x4, s28;
	v50 =	vmov s29;
	s29 =	sadd.s32 $0x5, s28;
	v54 =	vadd.s32 v9, v39;
	v52 =	vld [tilespmem:s26+$0xFFFFFF20];
	[tilespmem:v55+s20+$0x0] =	vst.idx.msk $0xffff, v45  }
0x127: {  	v57 =	vadd.s32 v14, v1;
	v44 =	vmov s29;
	v53 =	vmov s1;
	s1 =	sadd.s32 $0x6, s28;
	v55 =	vld [tilespmem:s26+$0xFFFFFF70];
	[tilespmem:v61+s20+$0x0] =	vst.idx.msk $0xffff, v56  }
0x128: {  	v58 =	vadd.s32 v18, v58;
	s29 =	sadd.s32 $0x7, s28;
	v51 =	vshll.u32 v51, v7;
	s28 =	sadd.s32 $0x8, s28;
	v45 =	vmov s1;
	v56 =	vld [tilespmem:s26+$0xFFFFFFB0];
	[tilespmem:v63+s20+$0x0] =	vst.idx.msk $0xffff, v62  }
0x129: {  	_ =	sdelay $0x2  }
0x12a: {  	v1 =	vshrl.u32 v59, $0x3  }
0x12b: {  	v3 =	vmov s29;
	v5 =	vld [tilespmem:s26+$0xFFFFFFF0];
	v41 =	vadd.s32 v22, v41;
	[tilespmem:v47+s20+$0x0] =	vst.idx.msk $0xffff, v46;
	v46 =	vshrl.u32 v60, $0x3  }
0x12c: {  	v47 =	vld [tilespmem:s26+$0x30];
	v40 =	vadd.s32 v26, v40;
	v63 =	vshrl.u32 v50, $0x3;
	v43 =	vadd.s32 v30, v43;
	[tilespmem:v49+s20+$0x0] =	vst.idx.msk $0xffff, v48  }
0x12d: {  	v60 =	vshrl.u32 v53, $0x3;
	v3 =	vshrl.u32 v3, $0x3;
	v59 =	vld [tilespmem:s26+$0x70];
	v1 =	vshll.u32 v1, v7;
	[tilespmem:v54+s20+$0x0] =	vst.idx.msk $0xffff, v52  }
0x12e: {  	v42 =	vadd.s32 v34, v42;
	v3 =	vshll.u32 v3, v7;
	v61 =	vld [tilespmem:s26+$0xB0];
	v1 =	vbroadcast v1, $0x0;
	[tilespmem:v57+s20+$0x0] =	vst.idx.msk $0xffff, v55  }
0x12f: {  	v39 =	vadd.s32 v10, v39;
	s1 =	sadd.s32 $0x200, s26;
	v46 =	vshll.u32 v46, v7;
	v3 =	vbroadcast v3, $0x0;
	v62 =	vld [tilespmem:s26+$0xFFFFFF30];
	[tilespmem:v58+s20+$0x0] =	vst.idx.msk $0xffff, v56  }
0x130: {  	v51 =	vbroadcast v51, $0x0;
	v48 =	vshll.u32 v63, v7;
	v63 =	vld [tilespmem:s1+$0xFFFFFF40];
	v56 =	vadd.s32 v11, v1;
	[tilespmem:v41+s20+$0x0] =	vst.idx.msk $0xffff, v5  }
0x131: {  	v44 =	vshrl.u32 v44, $0x3;
	v54 =	vld [tilespmem:s1+$0xC0];
	v46 =	vbroadcast v46, $0x0;
	v55 =	vadd.s32 v35, v3;
	[tilespmem:v40+s20+$0x0] =	vst.idx.msk $0xffff, v47  }
0x132: {  	v50 =	vshll.u32 v60, v7;
	v48 =	vbroadcast v48, $0x0;
	v5 =	vld [tilespmem:s1+$0xFFFFFF00];
	v41 =	vadd.s32 v4, v51;
	[tilespmem:v43+s20+$0x0] =	vst.idx.msk $0xffff, v59  }
0x133: {  	v44 =	vshll.u32 v44, v7;
	v50 =	vbroadcast v50, $0x0;
	v57 =	vld [tilespmem:s1+$0xFFFFFF80];
	v58 =	vadd.s32 v15, v46;
	[tilespmem:v42+s20+$0x0] =	vst.idx.msk $0xffff, v61  }
0x134: {  	v44 =	vbroadcast v44, $0x0;
	v60 =	vadd.s32 v19, v48;
	v59 =	vld [tilespmem:s1+$0xFFFFFFC0];
	[tilespmem:v39+s20+$0x0] =	vst.idx.msk $0xffff, v62  }
0x135: {  	v45 =	vshrl.u32 v45, $0x3;
	v61 =	vld [tilespmem:s1+$0x0];
	v62 =	vadd.s32 v23, v50;
	[tilespmem:v56+s20+$0x0] =	vst.idx.msk $0xffff, v63  }
0x136: {  	v45 =	vshll.u32 v45, v7;
	v40 =	vld [tilespmem:s1+$0x40];
	v63 =	vadd.s32 v27, v44;
	[tilespmem:v55+s20+$0x0] =	vst.idx.msk $0xffff, v54  }
0x137: {  	[tilespmem:v41+s20+$0x0] =	vst.idx.msk $0xffff, v5;
	v5 =	vbroadcast v45, $0x0;
	v45 =	vadd.s32 v36, v3;
	v41 =	vld [tilespmem:s1+$0xD0]  }
0x138: {  	[tilespmem:v58+s20+$0x0] =	vst.idx.msk $0xffff, v57;
	v58 =	vadd.s32 v12, v1;
	v57 =	vld [tilespmem:s1+$0xFFFFFF50]  }
0x139: {  	v43 =	vld [tilespmem:s1+$0x80];
	[tilespmem:v60+s20+$0x0] =	vst.idx.msk $0xffff, v59;
	v49 =	vadd.s32 v31, v5  }
0x13a: {  	v59 =	vld [tilespmem:s1+$0xFFFFFF90];
	v60 =	vadd.s32 v16, v46;
	[tilespmem:v62+s20+$0x0] =	vst.idx.msk $0xffff, v61  }
0x13b: {  	v61 =	vld [tilespmem:s1+$0xFFFFFFD0];
	v62 =	vadd.s32 v20, v48;
	[tilespmem:v63+s20+$0x0] =	vst.idx.msk $0xffff, v40  }
0x13c: {  	v63 =	vadd.s32 v24, v50;
	[tilespmem:v45+s20+$0x0] =	vst.idx.msk $0xffff, v41;
	v45 =	vld [tilespmem:s1+$0x10]  }
0x13d: {  	[tilespmem:v58+s20+$0x0] =	vst.idx.msk $0xffff, v57;
	v41 =	vadd.s32 v37, v3;
	v40 =	vld [tilespmem:s1+$0xE0]  }
0x13e: {  	[tilespmem:v49+s20+$0x0] =	vst.idx.msk $0xffff, v43;
	v43 =	vld [tilespmem:s1+$0x50];
	v49 =	vadd.s32 v28, v44  }
0x13f: {  	[tilespmem:v60+s20+$0x0] =	vst.idx.msk $0xffff, v59;
	v59 =	vld [tilespmem:s1+$0xFFFFFF10];
	v60 =	vadd.s32 v8, v51  }
0x140: {  	v58 =	vadd.s32 v32, v5;
	v57 =	vld [tilespmem:s1+$0x90];
	[tilespmem:v62+s20+$0x0] =	vst.idx.msk $0xffff, v61  }
0x141: {  	v61 =	vld [tilespmem:s1+$0xFFFFFF60];
	v62 =	vadd.s32 v13, v1;
	[tilespmem:v63+s20+$0x0] =	vst.idx.msk $0xffff, v45  }
0x142: {  	v63 =	vadd.s32 v17, v46;
	[tilespmem:v41+s20+$0x0] =	vst.idx.msk $0xffff, v40;
	v41 =	vld [tilespmem:s1+$0xFFFFFFA0]  }
0x143: {  	v47 =	vadd.s32 v21, v48;
	[tilespmem:v49+s20+$0x0] =	vst.idx.msk $0xffff, v43;
	v43 =	vld [tilespmem:s1+$0xFFFFFFE0]  }
0x144: {  	v3 =	vadd.s32 v38, v3;
	[tilespmem:v60+s20+$0x0] =	vst.idx.msk $0xffff, v59;
	v40 =	vld [tilespmem:s1+$0xF0]  }
0x145: {  	[tilespmem:v58+s20+$0x0] =	vst.idx.msk $0xffff, v57;
	v57 =	vld [tilespmem:s1+$0x20];
	v58 =	vadd.s32 v25, v50  }
0x146: {  	v60 =	vadd.s32 v29, v44;
	[tilespmem:v62+s20+$0x0] =	vst.idx.msk $0xffff, v61;
	v59 =	vld [tilespmem:s1+$0x60]  }
0x147: {  	v61 =	vadd.s32 v33, v5;
	v53 =	vld [tilespmem:s1+$0xA0];
	[tilespmem:v63+s20+$0x0] =	vst.idx.msk $0xffff, v41  }
0x148: {  	v1 =	vadd.s32 v14, v1;
	v63 =	vld [tilespmem:s1+$0xFFFFFF70];
	[tilespmem:v47+s20+$0x0] =	vst.idx.msk $0xffff, v43  }
0x149: {  	v62 =	vadd.s32 v9, v51;
	[tilespmem:v3+s20+$0x0] =	vst.idx.msk $0xffff, v40;
	v3 =	vld [tilespmem:s1+$0xFFFFFF20]  }
0x14a: {  	v56 =	vadd.s32 v18, v46;
	v55 =	vld [tilespmem:s1+$0xFFFFFFB0];
	[tilespmem:v58+s20+$0x0] =	vst.idx.msk $0xffff, v57  }
0x14b: {  	v57 =	vld [tilespmem:s1+$0xFFFFFFF0];
	v58 =	vadd.s32 v22, v48;
	[tilespmem:v60+s20+$0x0] =	vst.idx.msk $0xffff, v59  }
0x14c: {  	v60 =	vadd.s32 v26, v50;
	v59 =	vld [tilespmem:s1+$0x30];
	[tilespmem:v61+s20+$0x0] =	vst.idx.msk $0xffff, v53  }
0x14d: {  	v5 =	vadd.s32 v34, v5;
	[tilespmem:v1+s20+$0x0] =	vst.idx.msk $0xffff, v63;
	v1 =	vld [tilespmem:s1+$0xB0]  }
0x14e: {  	v61 =	vadd.s32 v30, v44;
	[tilespmem:v62+s20+$0x0] =	vst.idx.msk $0xffff, v3;
	v3 =	vld [tilespmem:s1+$0x70]  }
0x14f: {  	v63 =	vadd.s32 v10, v51;
	[tilespmem:v56+s20+$0x0] =	vst.idx.msk $0xffff, v55;
	v62 =	vld [tilespmem:s1+$0xFFFFFF30]  }
0x150: {  	[tilespmem:v58+s20+$0x0] =	vst.idx.msk $0xffff, v57;
	s1 =	sadd.s32 s5, s25  }
0x151: {  	[tilespmem:v60+s20+$0x0] =	vst.idx.msk $0xffff, v59;
	s25 =	sshll.u32 s1, $0x7  }
0x152: {  	s1 =	sshll.u32 s1, $0xA;
	s25 =	sand.u32 $0xF80, s25;
	[tilespmem:v5+s20+$0x0] =	vst.idx.msk $0xffff, v1  }
0x153: {  	s1 =	sand.u32 $0xFFF8000, s1;
	s25 =	sadd.s32 s2, s25;
	[tilespmem:v61+s20+$0x0] =	vst.idx.msk $0xffff, v3  }
0x154: {  	s31 =	simm.s32 $0xAD00;
	s1 =	sadd.s32 s1, s25;
	[tilespmem:v63+s20+$0x0] =	vst.idx.msk $0xffff, v62  }
0x155: {  	[hbm4b:s1+s3] =	stream.linear.scatter [tilespmem:s31], [sflag:$0x4], $0x80, $0x38;
	[tilespmem:$0xCF00] =	vst v63  }
0x156: {  	s26 =	simm.s32 $0xAD88;
	s31 =	sadd.s32 $0x10, s1  }
0x157: {  	[hbm4b:s31+s3] =	stream.linear.scatter [tilespmem:s26], [sflag:$0x4], $0x80, $0x38;
	[tilespmem:$0xCF00] =	vst v63  }
0x158: {  	s26 =	simm.s32 $0xAE10;
	s31 =	sadd.s32 $0x20, s1  }
0x159: {  	[hbm4b:s31+s3] =	stream.linear.scatter [tilespmem:s26], [sflag:$0x4], $0x80, $0x38;
	[tilespmem:$0xCF00] =	vst v63  }
0x15a: {  	s26 =	simm.s32 $0xAE98;
	s31 =	sadd.s32 $0x30, s1  }
0x15b: {  	[hbm4b:s31+s3] =	stream.linear.scatter [tilespmem:s26], [sflag:$0x4], $0x80, $0x38;
	[tilespmem:$0xCF00] =	vst v63  }
0x15c: {  	s26 =	simm.s32 $0xAF20;
	s31 =	sadd.s32 $0x40, s1  }
0x15d: {  	[hbm4b:s31+s3] =	stream.linear.scatter [tilespmem:s26], [sflag:$0x4], $0x80, $0x38;
	[tilespmem:$0xCF00] =	vst v63  }
0x15e: {  	s28 =	simm.s32 $0x2200;
	s26 =	simm.s32 $0xAFA8;
	s31 =	sadd.s32 $0x50, s1  }
0x15f: {  	[hbm4b:s31+s3] =	stream.linear.scatter [tilespmem:s26], [sflag:$0x4], $0x80, $0x38;
	[tilespmem:$0xCF00] =	vst v63  }
0x160: {  	s29 =	simm.s32 $0xB0B8;
	s26 =	simm.s32 $0xB030;
	s31 =	sadd.s32 $0x60, s1  }
0x161: {  	[hbm4b:s31+s3] =	stream.linear.scatter [tilespmem:s26], [sflag:$0x4], $0x80, $0x38;
	[tilespmem:$0xCF00] =	vst v63  }
0x162: {  	s25 =	simm.s32 $0x440;
	s30 =	sadd.s32 $0x70, s1;
	s26 =	sadd.s32 $0x1000, s1  }
.LBB2_15:
0x163: {  	[hbm4b:s30+s3] =	stream.linear.scatter [tilespmem:s29], [sflag:$0x4], $0x80, $0x38;
	[tilespmem:$0xCF00] =	vst v63  }
0x164: {  	s1 =	smov.u32 s25;
	s25 =	smov.u32 s28  }
0x165: {  	s31 =	sadd.s32 $0x1100, s28;
	s25 =	sshra.s32 s25, $0x2;
	s29 =	sadd.s32 $0xAD00, s1  }
0x166: {  	[hbm4b:s26+s3] =	stream.linear.scatter [tilespmem:s29], [sflag:$0x4], $0x80, $0x38;
	[tilespmem:$0xCF00] =	vst v63  }
0x167: {  	p0 =	sne.s32 s28, $0x7700;
	s28 =	sadd.s32 $0xAD88, s1;
	s29 =	sadd.s32 $0x10, s26  }
0x168: {  	[hbm4b:s29+s3] =	stream.linear.scatter [tilespmem:s28], [sflag:$0x4], $0x80, $0x38;
	[tilespmem:$0xCF00] =	vst v63  }
0x169: {  	s28 =	sadd.s32 $0xAE10, s1;
	s29 =	sadd.s32 $0x20, s26  }
0x16a: {  	[hbm4b:s29+s3] =	stream.linear.scatter [tilespmem:s28], [sflag:$0x4], $0x80, $0x38;
	[tilespmem:$0xCF00] =	vst v63  }
0x16b: {  	s28 =	sadd.s32 $0xAE98, s1;
	s29 =	sadd.s32 $0x30, s26  }
0x16c: {  	[hbm4b:s29+s3] =	stream.linear.scatter [tilespmem:s28], [sflag:$0x4], $0x80, $0x38;
	[tilespmem:$0xCF00] =	vst v63  }
0x16d: {  	s28 =	sadd.s32 $0xAF20, s1;
	s29 =	sadd.s32 $0x40, s26  }
0x16e: {  	[hbm4b:s29+s3] =	stream.linear.scatter [tilespmem:s28], [sflag:$0x4], $0x80, $0x38;
	[tilespmem:$0xCF00] =	vst v63  }
.Ltmp7:
0x16f: {  	s28 =	sadd.s32 $0xAFA8, s1;
	s29 =	sadd.s32 $0x50, s26;
	(pc) =	sbr.rel @p0 .LBB2_15-.Ltmp7, $4  }
0x170: {  	[hbm4b:s29+s3] =	stream.linear.scatter [tilespmem:s28], [sflag:$0x4], $0x80, $0x38;
	[tilespmem:$0xCF00] =	vst v63  }
0x171: {  	s30 =	sadd.s32 $0x70, s26;
	s28 =	sadd.s32 $0xB030, s1;
	s29 =	sadd.s32 $0x60, s26  }
0x172: {  	[hbm4b:s29+s3] =	stream.linear.scatter [tilespmem:s28], [sflag:$0x4], $0x80, $0x38;
	[tilespmem:$0xCF00] =	vst v63  }
0x173: {  	s26 =	sadd.s32 $0x1000, s26;
	s29 =	sadd.s32 $0xB0B8, s1;
	s28 =	smov.u32 s31  }
0x174: {  	[hbm4b:s30+s3] =	stream.linear.scatter [tilespmem:s29], [sflag:$0x4], $0x80, $0x38;
	[tilespmem:$0xCF00] =	vst v63  }
0x175: {  	s1 =	sadd.s32 $0xAD00, s25  }
0x176: {  	[hbm4b:s26+s3] =	stream.linear.scatter [tilespmem:s1], [sflag:$0x4], $0x80, $0x38;
	[tilespmem:$0xCF00] =	vst v63  }
0x177: {  	s31 =	sadd.s32 $0xAD88, s25;
	s28 =	sadd.s32 $0x10, s26  }
0x178: {  	[hbm4b:s28+s3] =	stream.linear.scatter [tilespmem:s31], [sflag:$0x4], $0x80, $0x38;
	[tilespmem:$0xCF00] =	vst v63  }
0x179: {  	s29 =	sadd.s32 $0xAE10, s25;
	s30 =	sadd.s32 $0x20, s26  }
0x17a: {  	[hbm4b:s30+s3] =	stream.linear.scatter [tilespmem:s29], [sflag:$0x4], $0x80, $0x38;
	[tilespmem:$0xCF00] =	vst v63  }
0x17b: {  	s31 =	sadd.s32 $0xAE98, s25;
	s29 =	sadd.s32 $0x30, s26  }
0x17c: {  	[hbm4b:s29+s3] =	stream.linear.scatter [tilespmem:s31], [sflag:$0x4], $0x80, $0x38;
	[tilespmem:$0xCF00] =	vst v63  }
0x17d: {  	s24 =	sadd.s32 $0x1, s24;
	s30 =	sadd.s32 $0xAF20, s25;
	s31 =	sadd.s32 $0x40, s26  }
0x17e: {  	[hbm4b:s31+s3] =	stream.linear.scatter [tilespmem:s30], [sflag:$0x4], $0x80, $0x38;
	[tilespmem:$0xCF00] =	vst v63  }
0x17f: {  	p0 =	sne.s32 s24, $0x19;
	s29 =	sadd.s32 $0xAFA8, s25;
	s30 =	sadd.s32 $0x50, s26  }
0x180: {  	[hbm4b:s30+s3] =	stream.linear.scatter [tilespmem:s29], [sflag:$0x4], $0x80, $0x38;
	[tilespmem:$0xCF00] =	vst v63  }
.Ltmp8:
0x181: {  	_ = 	snop;
	(pc) =	sbr.rel @p0 .LBB2_4-.Ltmp8, $4  }
0x182: {  	s31 =	sadd.s32 $0xB030, s25;
	s29 =	sadd.s32 $0x60, s26  }
0x183: {  	[hbm4b:s29+s3] =	stream.linear.scatter [tilespmem:s31], [sflag:$0x4], $0x80, $0x38;
	[tilespmem:$0xCF00] =	vst v63  }
0x184: {  	s30 =	sadd.s32 $0xB0B8, s25;
	s31 =	sadd.s32 $0x70, s26  }
0x185: {  	[hbm4b:s31+s3] =	stream.linear.scatter [tilespmem:s30], [sflag:$0x4], $0x80, $0x38;
	[tilespmem:$0xCF00] =	vst v63  }
0x186: {  	_ =	swait.ge [sflag:s21], $0x2000  }
0x187: {  	s22 =	sadd.s32 $0x1, s22;
	[sflag:s21] =	ssyncset.done $0x0  }
0x188: {  	p0 =	sne.s32 s22, s7;
	[sflag:s21] =	ssyncadd.s32 $0xFFFFE000  }
.Ltmp9:
0x189: {  	_ =	swait.ge [sflag:s19], $0x2000;
	(pc) =	sbr.rel @p0 .LBB2_1-.Ltmp9, $4  }
0x18a: {  	v1 =	vld [tilespmem:$0x1FFD0]  }
0x18b: {  	v3 =	vld [tilespmem:$0x1FFE0]  }
0x18c: {  	[sflag:s19] =	ssyncset.done $0x0;
	v5 =	vld [tilespmem:$0x1FFF0]  }
0x18d: {  	[sflag:s19] =	ssyncadd.s32 $0xFFFFE000  }
0x18e: {  	_ =	sfence.sel $0x180000  }
0x18f: {  	[bflag:$0x0] =	sbarrier.arrive $0xFFFF  }
0x190: {  	_ =	strace $0x90000047  }
0x191: {  	[bflag:$0x2] =	sbarrier.arrive $0xFFFF  }
0x192: {  	p0 =	sne.s32 s0, $0x0;
	s0 =	rddreg [dreg:$0x2]  }
0x193: {  	s0 =	sadd.s32 @!p0 $0x100000, s0  }
0x194: {  	[sflag:s0] =	ssyncadd.tile.s32 @!p0 $0x1;
	_ =	shalt  }
.Lfunc_end2:
_tile_overlayer_lowered:
.L_overlay_start_2:
0x195: {  	(tag) =	ssettag $0x2  }
0x196: {  	s0 =	rddreg [dreg:$0x0];
	s2 =	stileid.u32  }
0x197: {  	s1 =	rddreg [dreg:$0x1];
	p0 =	sne.s32 s2, $0x0  }
0x198: {  	s3 =	rddreg [dreg:$0x2];
	[bflag:$0x3] =	sbarrier.arrive $0xFFFF;
	s2 =	simm.s32 @!p0 $0x1C05  }
0x199: {  	[timem:s3], [sflag:s2] =	dma.local @!p0 [hbm:s0], s1  }
0x19a: {  	s0 =	simm.s32 @!p0 $0x5  }
0x19b: {  	_ =	swait.ge @!p0 [sflag:s0], s1  }
0x19c: {  	s1 =	ssub.s32 @!p0 $0x0, s1;
	[sflag:s0] =	ssyncset.done @!p0 $0x0  }
0x19d: {  	[sflag:s0] =	ssyncadd.s32 @!p0 s1  }
0x19e: {  	[bflag:$0x3] =	sbarrier.arrive $0xFFFF  }
0x19f: {  	_ =	shalt  }

</sc_bundles>
